<compile_context>
chip_gen: v7x
topology: tpu7x:2x2x1
jax: 0.10.2.dev20260603
libtpu: 0.0.44.dev20260713+nightly
codegen_flags: <defaults>
</compile_context>

<pallas_src>
import functools

import jax
import jax.numpy as jnp
from jax.experimental import pallas as pl
from jax.experimental.pallas import tpu as pltpu

_R = 1.0 / 7.0
_CHUNKS = 4


def _tile_extract(tile, off):
    lane = jax.lax.broadcasted_iota(jnp.int32, tile.shape, 1)
    sel = jnp.where(lane == off, tile.astype(jnp.float32), 0.0)
    return jnp.sum(sel, axis=1, keepdims=True)


def _fps2_kernel(
    m, n, c, b, v2_ref, norms_ref, xf_ref, out_ref, vbf_ref, dist_ref, sem
):
    kk = (b - 1) * 128 + c
    nq = n // _CHUNKS
    vbf_ref[...] = v2_ref[...].astype(jnp.float32).astype(jnp.bfloat16)
    dist_ref[...] = jnp.full((b, n), jnp.inf, jnp.float32)
    rows = jax.lax.broadcasted_iota(jnp.int32, (kk, 1), 0)
    zero = jnp.zeros((kk, 1), jnp.bfloat16)

    def masked_lhs(cols):
        parts = [
            jnp.where((rows >= i * 128) & (rows < i * 128 + c), cols[i], zero)
            for i in range(b)
        ]
        return jnp.concatenate(parts, axis=1)

    def start_row_copy(i, src_row, dst_row):
        pltpu.make_async_copy(
            xf_ref.at[i, pl.ds(src_row, 1), :],
            out_ref.at[i, pl.ds(dst_row, 1), :],
            sem.at[i],
        ).start()

    def wait_row_copy(i):
        pltpu.make_async_copy(
            xf_ref.at[i, pl.ds(0, 1), :],
            out_ref.at[i, pl.ds(0, 1), :],
            sem.at[i],
        ).wait()

    col0 = vbf_ref[:, 0:1]
    lhs0 = masked_lhs([col0] * b)
    ynorm0 = norms_ref[:, 0:1]
    for i in range(b):
        start_row_copy(i, 0, 0)

    def body(j, carry):
        lhs, ynorm = carry
        mxs, ixs = [], []
        for k in range(_CHUNKS):
            sl = pl.ds(k * nq, nq)
            dotk = jax.lax.dot_general(
                lhs,
                vbf_ref[:, sl],
                dimension_numbers=(((0,), (0,)), ((), ())),
                preferred_element_type=jnp.float32,
            )
            dk = (norms_ref[:, sl] + ynorm) - 2.0 * dotk
            distk = jnp.minimum(dist_ref[:, sl], dk)
            dist_ref[:, sl] = distk
            mxk = jnp.max(distk, axis=1, keepdims=True)
            iotak = (
                jax.lax.broadcasted_iota(jnp.int32, (b, nq), 1) + k * nq
            )
            ixs.append(
                jnp.min(jnp.where(distk == mxk, iotak, n), axis=1, keepdims=True)
            )
            mxs.append(mxk)
        mx = mxs[0]
        for k in range(1, _CHUNKS):
            mx = jnp.maximum(mx, mxs[k])
        ix = jnp.full((b, 1), n, jnp.int32)
        for k in range(_CHUNKS):
            ix = jnp.minimum(ix, jnp.where(mxs[k] == mx, ixs[k], n))
        cols, ynorms = [], []
        for i in range(b):
            new = ix[i, 0]
            wait_row_copy(i)
            start_row_copy(i, new, j)
            base = pl.multiple_of((new // 128) * 128, 128)
            off = new - base
            vt = vbf_ref[:, pl.ds(base, 128)]
            cols.append(_tile_extract(vt, off).astype(jnp.bfloat16))
            nt = norms_ref[i : i + 1, pl.ds(base, 128)]
            ynorms.append(_tile_extract(nt, off))
        return masked_lhs(cols), jnp.concatenate(ynorms, axis=0)

    jax.lax.fori_loop(1, m, body, (lhs0, ynorm0))
    for i in range(b):
        wait_row_copy(i)


def kernel(x):
    b, c, h, w = x.shape
    n = h * w
    mh, mw = round(h * _R), round(w * _R)
    m = max(min(mh * mw, n), 1)
    x_flat = jnp.transpose(x, (0, 2, 3, 1)).reshape(b, n, c)
    norms = jnp.sum(x_flat * x_flat, axis=2)
    xr = x.reshape(b, c, n)
    pad = jnp.zeros((128 - c, n), x.dtype) if c < 128 else None
    vparts = []
    for i in range(b):
        vparts.append(xr[i])
        if i < b - 1 and pad is not None:
            vparts.append(pad)
    v2 = jnp.concatenate(vparts, axis=0).astype(jnp.bfloat16)
    out = pl.pallas_call(
        functools.partial(_fps2_kernel, m, n, c, b),
        in_specs=[
            pl.BlockSpec(memory_space=pltpu.MemorySpace.VMEM),
            pl.BlockSpec(memory_space=pltpu.MemorySpace.VMEM),
            pl.BlockSpec(memory_space=pltpu.MemorySpace.HBM),
        ],
        out_specs=pl.BlockSpec(memory_space=pltpu.MemorySpace.VMEM),
        out_shape=jax.ShapeDtypeStruct((b, m, c), x.dtype),
        scratch_shapes=[
            pltpu.VMEM(((b - 1) * 128 + c, n), jnp.bfloat16),
            pltpu.VMEM((b, n), jnp.float32),
            pltpu.SemaphoreType.DMA((b,)),
        ],
    )(v2, norms, x_flat)
    return jnp.transpose(out.reshape(b, mh, mw, c), (0, 3, 1, 2))

# --- scband reference (transcript-rebuilt; emitter-appended) ---
"""Pipeline reference for scband-euclidean-farthest-point-pre-pooling-57921928954501 (READ-ONLY COPY).

The authoritative reference and input builder live on the scoring server;
editing this copy changes nothing except your own understanding.
"""

import jax, jax.numpy as jnp
import numpy as np

R = 1.0 / 7.0


def setup_inputs(seed: int = 0) -> dict:
    key = jax.random.key(seed)
    x = jax.random.normal(key, (2, 96, 224, 224), dtype=jnp.float32)
    return {"x": x}


def _fps_idx(vectors, m):
    # vectors: (n, c). Returns int32 indices of m farthest-point samples,
    # starting from index 0, exactly mirroring the torch loop.
    n = vectors.shape[0]
    norms = jnp.sum(vectors * vectors, axis=1)

    def body(j, carry):
        idx, dist = carry
        last_idx = idx[j - 1]
        y = vectors[last_idx]
        y_norm = norms[last_idx]
        dot = vectors @ y
        d = norms + y_norm - 2.0 * dot
        dist = jnp.minimum(dist, d)
        idx = idx.at[j].set(jnp.argmax(dist).astype(jnp.int32))
        return (idx, dist)

    idx0 = jnp.zeros((m,), dtype=jnp.int32)
    dist0 = jnp.full((n,), jnp.inf, dtype=vectors.dtype)
    idx, _ = jax.lax.fori_loop(1, m, body, (idx0, dist0))
    return idx


def reference(x):
    b, c, h, w = x.shape
    r = R
    # _flatten_hw: (B, C, H, W) -> (B, H*W, C)
    x_flat = jnp.transpose(x, (0, 2, 3, 1)).reshape(b, h * w, c)
    n = x_flat.shape[1]
    m = round(h * r) * round(w * r)
    m = max(min(m, n), 1)
    # index selection is non-differentiable (argmax) -> stop_gradient on the
    # selection path matches torch semantics exactly
    idx = jax.vmap(lambda v: _fps_idx(v, m))(jax.lax.stop_gradient(x_flat))
    out = jnp.take_along_axis(x_flat, idx[:, :, None], axis=1)
    # _reshape_hw: (B, m, C) -> (B, C, H*r, W*r)
    out = out.reshape(b, round(h * r), round(w * r), c)
    out = jnp.transpose(out, (0, 3, 1, 2))
    return out

if __name__ == "__main__":
    import jax
    _d = setup_inputs()
    print(jax.jit(kernel)(*tuple(_d.values())))

</pallas_src>

<mosaic_0001>
module attributes {stable_mosaic.version = 14 : i64} {
  func.func @_fps2_kernel(%arg0: memref<224x50176xbf16, #tpu.memory_space<vmem>>, %arg1: memref<2x50176xf32, #tpu.memory_space<vmem>>, %arg2: memref<2x50176x96xf32, #tpu.memory_space<hbm>>, %arg3: memref<2x1024x96xf32, #tpu.memory_space<vmem>>, %arg4: memref<224x50176xbf16, #tpu.memory_space<vmem>>, %arg5: memref<2x50176xf32, #tpu.memory_space<vmem>>, %arg6: memref<2x!tpu.dma_semaphore, #tpu.memory_space<semaphore_mem>>) attributes {dimension_semantics = [], scalar_prefetch = 0 : i64, scratch_operands = 3 : i64, tpu.core_type = #tpu.core_type<tc>} {
    %get3A = arith.constant 0 : index
    %get3A_0 = arith.constant 0 : index
    %get3A_1 = vector.load %arg0[%get3A, %get3A_0] : memref<224x50176xbf16, #tpu.memory_space<vmem>>, vector<224x50176xbf16>
    %convert_element_type3A = arith.extf %get3A_1 : vector<224x50176xbf16> to vector<224x50176xf32>
    %convert_element_type3A_2 = arith.truncf %convert_element_type3A : vector<224x50176xf32> to vector<224x50176xbf16>
    %swap3A = arith.constant 0 : index
    %swap3A_3 = arith.constant 0 : index
    %swap3A_4 = vector.load %arg4[%swap3A, %swap3A_3] : memref<224x50176xbf16, #tpu.memory_space<vmem>>, vector<224x50176xbf16>
    tpu.vector_store %arg4[%swap3A, %swap3A_3], %convert_element_type3A_2 {strides = array<i32>} : memref<224x50176xbf16, #tpu.memory_space<vmem>>, vector<224x50176xbf16>,
    %broadcast_in_dim3A = arith.constant 0x7F800000 : f32
    %broadcast_in_dim3A_5 = vector.broadcast %broadcast_in_dim3A : f32 to vector<2x50176xf32>
    %swap3A_6 = arith.constant 0 : index
    %swap3A_7 = arith.constant 0 : index
    %swap3A_8 = vector.load %arg5[%swap3A_6, %swap3A_7] : memref<2x50176xf32, #tpu.memory_space<vmem>>, vector<2x50176xf32>
    tpu.vector_store %arg5[%swap3A_6, %swap3A_7], %broadcast_in_dim3A_5 {strides = array<i32>} : memref<2x50176xf32, #tpu.memory_space<vmem>>, vector<2x50176xf32>,
    %iota3A = tpu.iota {dimensions = array<i32: 0>} : vector<224x1xi32>
    %broadcast_in_dim3A_9 = arith.constant 0.000000e+00 : bf16
    %broadcast_in_dim3A_10 = vector.broadcast %broadcast_in_dim3A_9 : bf16 to vector<224x1xbf16>
    %get3A_11 = arith.constant 0 : index
    %get3A_12 = arith.constant 0 : index
    %get3A_13 = vector.load %arg4[%get3A_11, %get3A_12] : memref<224x50176xbf16, #tpu.memory_space<vmem>>, vector<224x1xbf16>
    %ge3A = arith.constant 0 : i32
    %ge3A_14 = vector.broadcast %ge3A : i32 to vector<224x1xi32>
    %ge3A_15 = arith.cmpi sge, %iota3A, %ge3A_14 : vector<224x1xi32>
    %lt3A = arith.constant 96 : i32
    %lt3A_16 = vector.broadcast %lt3A : i32 to vector<224x1xi32>
    %lt3A_17 = arith.cmpi slt, %iota3A, %lt3A_16 : vector<224x1xi32>
    %and3A = arith.andi %ge3A_15, %lt3A_17 : vector<224x1xi1>
    %select_n3A = arith.select %and3A, %get3A_13, %broadcast_in_dim3A_10 : vector<224x1xi1>, vector<224x1xbf16>
    %ge3A_18 = arith.constant 128 : i32
    %ge3A_19 = vector.broadcast %ge3A_18 : i32 to vector<224x1xi32>
    %ge3A_20 = arith.cmpi sge, %iota3A, %ge3A_19 : vector<224x1xi32>
    %lt3A_21 = arith.constant 224 : i32
    %lt3A_22 = vector.broadcast %lt3A_21 : i32 to vector<224x1xi32>
    %lt3A_23 = arith.cmpi slt, %iota3A, %lt3A_22 : vector<224x1xi32>
    %and3A_24 = arith.andi %ge3A_20, %lt3A_23 : vector<224x1xi1>
    %select_n3A_25 = arith.select %and3A_24, %get3A_13, %broadcast_in_dim3A_10 : vector<224x1xi1>, vector<224x1xbf16>
    %concatenate3A = tpu.concatenate %select_n3A, %select_n3A_25 in 1 : vector<224x1xbf16>, vector<224x1xbf16> -> vector<224x2xbf16>
    %get3A_26 = arith.constant 0 : index
    %get3A_27 = arith.constant 0 : index
    %get3A_28 = vector.load %arg1[%get3A_26, %get3A_27] : memref<2x50176xf32, #tpu.memory_space<vmem>>, vector<2x1xf32>
    %dma_start3A = arith.constant 0 : i32
    %dma_start3A_29 = arith.constant 0 : i32
    %dma_start3A_30 = arith.constant 0 : i32
    %dma_start3A_31 = tpu.memref_slice %arg6[%dma_start3A_30] : memref<2x!tpu.dma_semaphore, #tpu.memory_space<semaphore_mem>> -> memref<1x!tpu.dma_semaphore, #tpu.memory_space<semaphore_mem>>
    %dma_start3A_32 = tpu.memref_squeeze %dma_start3A_31 : memref<1x!tpu.dma_semaphore, #tpu.memory_space<semaphore_mem>> -> memref<!tpu.dma_semaphore, #tpu.memory_space<semaphore_mem>>
    %dma_start3A_33 = arith.constant 0 : i32
    %dma_start3A_34 = arith.constant 0 : i32
    %dma_start3A_35 = tpu.memref_slice %arg3[%dma_start3A_29, %dma_start3A_33, %dma_start3A_34] : memref<2x1024x96xf32, #tpu.memory_space<vmem>> -> memref<1x1x96xf32, #tpu.memory_space<vmem>>
    %dma_start3A_36 = tpu.memref_squeeze %dma_start3A_35 : memref<1x1x96xf32, #tpu.memory_space<vmem>> -> memref<1x96xf32, #tpu.memory_space<vmem>>
    %dma_start3A_37 = arith.constant 0 : i32
    %dma_start3A_38 = arith.constant 0 : i32
    %dma_start3A_39 = tpu.memref_slice %arg2[%dma_start3A, %dma_start3A_37, %dma_start3A_38] : memref<2x50176x96xf32, #tpu.memory_space<hbm>> -> memref<1x1x96xf32, #tpu.memory_space<hbm>>
    %dma_start3A_40 = tpu.memref_squeeze %dma_start3A_39 : memref<1x1x96xf32, #tpu.memory_space<hbm>> -> memref<1x96xf32, #tpu.memory_space<hbm>>
    tpu.enqueue_dma source(%dma_start3A_40 : memref<1x96xf32, #tpu.memory_space<hbm>>) target(%dma_start3A_36 : memref<1x96xf32, #tpu.memory_space<vmem>>) target_semaphore(%dma_start3A_32 : memref<!tpu.dma_semaphore, #tpu.memory_space<semaphore_mem>>)
    %dma_start3A_41 = arith.constant 1 : i32
    %dma_start3A_42 = arith.constant 1 : i32
    %dma_start3A_43 = arith.constant 1 : i32
    %dma_start3A_44 = tpu.memref_slice %arg6[%dma_start3A_43] : memref<2x!tpu.dma_semaphore, #tpu.memory_space<semaphore_mem>> -> memref<1x!tpu.dma_semaphore, #tpu.memory_space<semaphore_mem>>
    %dma_start3A_45 = tpu.memref_squeeze %dma_start3A_44 : memref<1x!tpu.dma_semaphore, #tpu.memory_space<semaphore_mem>> -> memref<!tpu.dma_semaphore, #tpu.memory_space<semaphore_mem>>
    %dma_start3A_46 = arith.constant 0 : i32
    %dma_start3A_47 = arith.constant 0 : i32
    %dma_start3A_48 = tpu.memref_slice %arg3[%dma_start3A_42, %dma_start3A_46, %dma_start3A_47] : memref<2x1024x96xf32, #tpu.memory_space<vmem>> -> memref<1x1x96xf32, #tpu.memory_space<vmem>>
    %dma_start3A_49 = tpu.memref_squeeze %dma_start3A_48 : memref<1x1x96xf32, #tpu.memory_space<vmem>> -> memref<1x96xf32, #tpu.memory_space<vmem>>
    %dma_start3A_50 = arith.constant 0 : i32
    %dma_start3A_51 = arith.constant 0 : i32
    %dma_start3A_52 = tpu.memref_slice %arg2[%dma_start3A_41, %dma_start3A_50, %dma_start3A_51] : memref<2x50176x96xf32, #tpu.memory_space<hbm>> -> memref<1x1x96xf32, #tpu.memory_space<hbm>>
    %dma_start3A_53 = tpu.memref_squeeze %dma_start3A_52 : memref<1x1x96xf32, #tpu.memory_space<hbm>> -> memref<1x96xf32, #tpu.memory_space<hbm>>
    tpu.enqueue_dma source(%dma_start3A_53 : memref<1x96xf32, #tpu.memory_space<hbm>>) target(%dma_start3A_49 : memref<1x96xf32, #tpu.memory_space<vmem>>) target_semaphore(%dma_start3A_45 : memref<!tpu.dma_semaphore, #tpu.memory_space<semaphore_mem>>)
    %scan3A = arith.constant 1 : i32
    %scan3A_54 = arith.constant 1023 : i32
    %scan3A_55 = arith.addi %scan3A, %scan3A_54 : i32
    %scan3A_56 = arith.constant 1 : i32
    %scan3A_57:2 = scf.for %scan3A_84 = %scan3A to %scan3A_55 step %scan3A_56 iter_args(%scan3A_85 = %concatenate3A, %scan3A_86 = %get3A_28) -> (vector<224x2xbf16>, vector<2x1xf32>)  : i32 {
      %get3A_87 = arith.constant 0 : index
      %get3A_88 = arith.constant 0 : index
      %get3A_89 = vector.load %arg4[%get3A_87, %get3A_88] : memref<224x50176xbf16, #tpu.memory_space<vmem>>, vector<224x12544xbf16>
      %dot_general3A = arith.constant dense<0.000000e+00> : vector<2x12544xf32>
      %dot_general3A_90 = tpu.matmul %scan3A_85, %get3A_89, %dot_general3A {dimension_numbers = #tpu.dot_dimension_numbers<[0], [0], [1], [1], [0, 1, 1, 1], [], []>, transpose_lhs_hint = false} : vector<224x2xbf16>, vector<224x12544xbf16>, vector<2x12544xf32> -> vector<2x12544xf32>
      %get3A_91 = arith.constant 0 : index
      %get3A_92 = arith.constant 0 : index
      %get3A_93 = vector.load %arg1[%get3A_91, %get3A_92] : memref<2x50176xf32, #tpu.memory_space<vmem>>, vector<2x12544xf32>
      %add3A = vector.broadcast %scan3A_86 : vector<2x1xf32> to vector<2x12544xf32>
      %add3A_94 = arith.addf %get3A_93, %add3A : vector<2x12544xf32>
      %mul3A = arith.constant 2.000000e+00 : f32
      %mul3A_95 = vector.broadcast %mul3A : f32 to vector<2x12544xf32>
      %mul3A_96 = arith.mulf %mul3A_95, %dot_general3A_90 : vector<2x12544xf32>
      %sub3A = arith.subf %add3A_94, %mul3A_96 : vector<2x12544xf32>
      %get3A_97 = arith.constant 0 : index
      %get3A_98 = arith.constant 0 : index
      %get3A_99 = vector.load %arg5[%get3A_97, %get3A_98] : memref<2x50176xf32, #tpu.memory_space<vmem>>, vector<2x12544xf32>
      %min3A = arith.minimumf %get3A_99, %sub3A : vector<2x12544xf32>
      %swap3A_100 = arith.constant 0 : index
      %swap3A_101 = arith.constant 0 : index
      %swap3A_102 = vector.load %arg5[%swap3A_100, %swap3A_101] : memref<2x50176xf32, #tpu.memory_space<vmem>>, vector<2x12544xf32>
      tpu.vector_store %arg5[%swap3A_100, %swap3A_101], %min3A {strides = array<i32>} : memref<2x50176xf32, #tpu.memory_space<vmem>>, vector<2x12544xf32>,
      %reduce_max3A = arith.constant dense<0xFF800000> : vector<2xf32>
      %reduce_max3A_103 = vector.multi_reduction <maximumf>, %min3A, %reduce_max3A [1] : vector<2x12544xf32> to vector<2xf32>
      %broadcast_in_dim3A_104 = vector.shape_cast %reduce_max3A_103 : vector<2xf32> to vector<2x1xf32>
      %iota3A_105 = tpu.iota {dimensions = array<i32: 1>} : vector<2x12544xi32>
      %add3A_106 = arith.constant 0 : i32
      %add3A_107 = vector.broadcast %add3A_106 : i32 to vector<2x12544xi32>
      %add3A_108 = arith.addi %iota3A_105, %add3A_107 : vector<2x12544xi32>
      %eq3A = vector.broadcast %broadcast_in_dim3A_104 : vector<2x1xf32> to vector<2x12544xf32>
      %eq3A_109 = arith.cmpf oeq, %min3A, %eq3A : vector<2x12544xf32>
      %jit3A = arith.constant 50176 : i32
      %broadcast_in_dim3A_110 = vector.broadcast %jit3A : i32 to vector<2x12544xi32>
      %select_n3A_111 = arith.select %eq3A_109, %add3A_108, %broadcast_in_dim3A_110 : vector<2x12544xi1>, vector<2x12544xi32>
      %reduce_min3A = arith.constant dense<2147483647> : vector<2xi32>
      %reduce_min3A_112 = vector.multi_reduction <minsi>, %select_n3A_111, %reduce_min3A [1] : vector<2x12544xi32> to vector<2xi32>
      %broadcast_in_dim3A_113 = vector.shape_cast %reduce_min3A_112 : vector<2xi32> to vector<2x1xi32>
      %get3A_114 = arith.constant 0 : index
      %get3A_115 = arith.constant 12544 : index
      %get3A_116 = vector.load %arg4[%get3A_114, %get3A_115] : memref<224x50176xbf16, #tpu.memory_space<vmem>>, vector<224x12544xbf16>
      %dot_general3A_117 = arith.constant dense<0.000000e+00> : vector<2x12544xf32>
      %dot_general3A_118 = tpu.matmul %scan3A_85, %get3A_116, %dot_general3A_117 {dimension_numbers = #tpu.dot_dimension_numbers<[0], [0], [1], [1], [0, 1, 1, 1], [], []>, transpose_lhs_hint = false} : vector<224x2xbf16>, vector<224x12544xbf16>, vector<2x12544xf32> -> vector<2x12544xf32>
      %get3A_119 = arith.constant 0 : index
      %get3A_120 = arith.constant 12544 : index
      %get3A_121 = vector.load %arg1[%get3A_119, %get3A_120] : memref<2x50176xf32, #tpu.memory_space<vmem>>, vector<2x12544xf32>
      %add3A_122 = vector.broadcast %scan3A_86 : vector<2x1xf32> to vector<2x12544xf32>
      %add3A_123 = arith.addf %get3A_121, %add3A_122 : vector<2x12544xf32>
      %mul3A_124 = arith.constant 2.000000e+00 : f32
      %mul3A_125 = vector.broadcast %mul3A_124 : f32 to vector<2x12544xf32>
      %mul3A_126 = arith.mulf %mul3A_125, %dot_general3A_118 : vector<2x12544xf32>
      %sub3A_127 = arith.subf %add3A_123, %mul3A_126 : vector<2x12544xf32>
      %get3A_128 = arith.constant 0 : index
      %get3A_129 = arith.constant 12544 : index
      %get3A_130 = vector.load %arg5[%get3A_128, %get3A_129] : memref<2x50176xf32, #tpu.memory_space<vmem>>, vector<2x12544xf32>
      %min3A_131 = arith.minimumf %get3A_130, %sub3A_127 : vector<2x12544xf32>
      %swap3A_132 = arith.constant 0 : index
      %swap3A_133 = arith.constant 12544 : index
      %swap3A_134 = vector.load %arg5[%swap3A_132, %swap3A_133] : memref<2x50176xf32, #tpu.memory_space<vmem>>, vector<2x12544xf32>
      tpu.vector_store %arg5[%swap3A_132, %swap3A_133], %min3A_131 {strides = array<i32>} : memref<2x50176xf32, #tpu.memory_space<vmem>>, vector<2x12544xf32>,
      %reduce_max3A_135 = arith.constant dense<0xFF800000> : vector<2xf32>
      %reduce_max3A_136 = vector.multi_reduction <maximumf>, %min3A_131, %reduce_max3A_135 [1] : vector<2x12544xf32> to vector<2xf32>
      %broadcast_in_dim3A_137 = vector.shape_cast %reduce_max3A_136 : vector<2xf32> to vector<2x1xf32>
      %iota3A_138 = tpu.iota {dimensions = array<i32: 1>} : vector<2x12544xi32>
      %add3A_139 = arith.constant 12544 : i32
      %add3A_140 = vector.broadcast %add3A_139 : i32 to vector<2x12544xi32>
      %add3A_141 = arith.addi %iota3A_138, %add3A_140 : vector<2x12544xi32>
      %eq3A_142 = vector.broadcast %broadcast_in_dim3A_137 : vector<2x1xf32> to vector<2x12544xf32>
      %eq3A_143 = arith.cmpf oeq, %min3A_131, %eq3A_142 : vector<2x12544xf32>
      %jit3A_144 = arith.constant 50176 : i32
      %broadcast_in_dim3A_145 = vector.broadcast %jit3A_144 : i32 to vector<2x12544xi32>
      %select_n3A_146 = arith.select %eq3A_143, %add3A_141, %broadcast_in_dim3A_145 : vector<2x12544xi1>, vector<2x12544xi32>
      %reduce_min3A_147 = arith.constant dense<2147483647> : vector<2xi32>
      %reduce_min3A_148 = vector.multi_reduction <minsi>, %select_n3A_146, %reduce_min3A_147 [1] : vector<2x12544xi32> to vector<2xi32>
      %broadcast_in_dim3A_149 = vector.shape_cast %reduce_min3A_148 : vector<2xi32> to vector<2x1xi32>
      %get3A_150 = arith.constant 0 : index
      %get3A_151 = arith.constant 25088 : index
      %get3A_152 = vector.load %arg4[%get3A_150, %get3A_151] : memref<224x50176xbf16, #tpu.memory_space<vmem>>, vector<224x12544xbf16>
      %dot_general3A_153 = arith.constant dense<0.000000e+00> : vector<2x12544xf32>
      %dot_general3A_154 = tpu.matmul %scan3A_85, %get3A_152, %dot_general3A_153 {dimension_numbers = #tpu.dot_dimension_numbers<[0], [0], [1], [1], [0, 1, 1, 1], [], []>, transpose_lhs_hint = false} : vector<224x2xbf16>, vector<224x12544xbf16>, vector<2x12544xf32> -> vector<2x12544xf32>
      %get3A_155 = arith.constant 0 : index
      %get3A_156 = arith.constant 25088 : index
      %get3A_157 = vector.load %arg1[%get3A_155, %get3A_156] : memref<2x50176xf32, #tpu.memory_space<vmem>>, vector<2x12544xf32>
      %add3A_158 = vector.broadcast %scan3A_86 : vector<2x1xf32> to vector<2x12544xf32>
      %add3A_159 = arith.addf %get3A_157, %add3A_158 : vector<2x12544xf32>
      %mul3A_160 = arith.constant 2.000000e+00 : f32
      %mul3A_161 = vector.broadcast %mul3A_160 : f32 to vector<2x12544xf32>
      %mul3A_162 = arith.mulf %mul3A_161, %dot_general3A_154 : vector<2x12544xf32>
      %sub3A_163 = arith.subf %add3A_159, %mul3A_162 : vector<2x12544xf32>
      %get3A_164 = arith.constant 0 : index
      %get3A_165 = arith.constant 25088 : index
      %get3A_166 = vector.load %arg5[%get3A_164, %get3A_165] : memref<2x50176xf32, #tpu.memory_space<vmem>>, vector<2x12544xf32>
      %min3A_167 = arith.minimumf %get3A_166, %sub3A_163 : vector<2x12544xf32>
      %swap3A_168 = arith.constant 0 : index
      %swap3A_169 = arith.constant 25088 : index
      %swap3A_170 = vector.load %arg5[%swap3A_168, %swap3A_169] : memref<2x50176xf32, #tpu.memory_space<vmem>>, vector<2x12544xf32>
      tpu.vector_store %arg5[%swap3A_168, %swap3A_169], %min3A_167 {strides = array<i32>} : memref<2x50176xf32, #tpu.memory_space<vmem>>, vector<2x12544xf32>,
      %reduce_max3A_171 = arith.constant dense<0xFF800000> : vector<2xf32>
      %reduce_max3A_172 = vector.multi_reduction <maximumf>, %min3A_167, %reduce_max3A_171 [1] : vector<2x12544xf32> to vector<2xf32>
      %broadcast_in_dim3A_173 = vector.shape_cast %reduce_max3A_172 : vector<2xf32> to vector<2x1xf32>
      %iota3A_174 = tpu.iota {dimensions = array<i32: 1>} : vector<2x12544xi32>
      %add3A_175 = arith.constant 25088 : i32
      %add3A_176 = vector.broadcast %add3A_175 : i32 to vector<2x12544xi32>
      %add3A_177 = arith.addi %iota3A_174, %add3A_176 : vector<2x12544xi32>
      %eq3A_178 = vector.broadcast %broadcast_in_dim3A_173 : vector<2x1xf32> to vector<2x12544xf32>
      %eq3A_179 = arith.cmpf oeq, %min3A_167, %eq3A_178 : vector<2x12544xf32>
      %jit3A_180 = arith.constant 50176 : i32
      %broadcast_in_dim3A_181 = vector.broadcast %jit3A_180 : i32 to vector<2x12544xi32>
      %select_n3A_182 = arith.select %eq3A_179, %add3A_177, %broadcast_in_dim3A_181 : vector<2x12544xi1>, vector<2x12544xi32>
      %reduce_min3A_183 = arith.constant dense<2147483647> : vector<2xi32>
      %reduce_min3A_184 = vector.multi_reduction <minsi>, %select_n3A_182, %reduce_min3A_183 [1] : vector<2x12544xi32> to vector<2xi32>
      %broadcast_in_dim3A_185 = vector.shape_cast %reduce_min3A_184 : vector<2xi32> to vector<2x1xi32>
      %get3A_186 = arith.constant 0 : index
      %get3A_187 = arith.constant 37632 : index
      %get3A_188 = vector.load %arg4[%get3A_186, %get3A_187] : memref<224x50176xbf16, #tpu.memory_space<vmem>>, vector<224x12544xbf16>
      %dot_general3A_189 = arith.constant dense<0.000000e+00> : vector<2x12544xf32>
      %dot_general3A_190 = tpu.matmul %scan3A_85, %get3A_188, %dot_general3A_189 {dimension_numbers = #tpu.dot_dimension_numbers<[0], [0], [1], [1], [0, 1, 1, 1], [], []>, transpose_lhs_hint = false} : vector<224x2xbf16>, vector<224x12544xbf16>, vector<2x12544xf32> -> vector<2x12544xf32>
      %get3A_191 = arith.constant 0 : index
      %get3A_192 = arith.constant 37632 : index
      %get3A_193 = vector.load %arg1[%get3A_191, %get3A_192] : memref<2x50176xf32, #tpu.memory_space<vmem>>, vector<2x12544xf32>
      %add3A_194 = vector.broadcast %scan3A_86 : vector<2x1xf32> to vector<2x12544xf32>
      %add3A_195 = arith.addf %get3A_193, %add3A_194 : vector<2x12544xf32>
      %mul3A_196 = arith.constant 2.000000e+00 : f32
      %mul3A_197 = vector.broadcast %mul3A_196 : f32 to vector<2x12544xf32>
      %mul3A_198 = arith.mulf %mul3A_197, %dot_general3A_190 : vector<2x12544xf32>
      %sub3A_199 = arith.subf %add3A_195, %mul3A_198 : vector<2x12544xf32>
      %get3A_200 = arith.constant 0 : index
      %get3A_201 = arith.constant 37632 : index
      %get3A_202 = vector.load %arg5[%get3A_200, %get3A_201] : memref<2x50176xf32, #tpu.memory_space<vmem>>, vector<2x12544xf32>
      %min3A_203 = arith.minimumf %get3A_202, %sub3A_199 : vector<2x12544xf32>
      %swap3A_204 = arith.constant 0 : index
      %swap3A_205 = arith.constant 37632 : index
      %swap3A_206 = vector.load %arg5[%swap3A_204, %swap3A_205] : memref<2x50176xf32, #tpu.memory_space<vmem>>, vector<2x12544xf32>
      tpu.vector_store %arg5[%swap3A_204, %swap3A_205], %min3A_203 {strides = array<i32>} : memref<2x50176xf32, #tpu.memory_space<vmem>>, vector<2x12544xf32>,
      %reduce_max3A_207 = arith.constant dense<0xFF800000> : vector<2xf32>
      %reduce_max3A_208 = vector.multi_reduction <maximumf>, %min3A_203, %reduce_max3A_207 [1] : vector<2x12544xf32> to vector<2xf32>
      %broadcast_in_dim3A_209 = vector.shape_cast %reduce_max3A_208 : vector<2xf32> to vector<2x1xf32>
      %iota3A_210 = tpu.iota {dimensions = array<i32: 1>} : vector<2x12544xi32>
      %add3A_211 = arith.constant 37632 : i32
      %add3A_212 = vector.broadcast %add3A_211 : i32 to vector<2x12544xi32>
      %add3A_213 = arith.addi %iota3A_210, %add3A_212 : vector<2x12544xi32>
      %eq3A_214 = vector.broadcast %broadcast_in_dim3A_209 : vector<2x1xf32> to vector<2x12544xf32>
      %eq3A_215 = arith.cmpf oeq, %min3A_203, %eq3A_214 : vector<2x12544xf32>
      %jit3A_216 = arith.constant 50176 : i32
      %broadcast_in_dim3A_217 = vector.broadcast %jit3A_216 : i32 to vector<2x12544xi32>
      %select_n3A_218 = arith.select %eq3A_215, %add3A_213, %broadcast_in_dim3A_217 : vector<2x12544xi1>, vector<2x12544xi32>
      %reduce_min3A_219 = arith.constant dense<2147483647> : vector<2xi32>
      %reduce_min3A_220 = vector.multi_reduction <minsi>, %select_n3A_218, %reduce_min3A_219 [1] : vector<2x12544xi32> to vector<2xi32>
      %broadcast_in_dim3A_221 = vector.shape_cast %reduce_min3A_220 : vector<2xi32> to vector<2x1xi32>
      %max3A = arith.maximumf %broadcast_in_dim3A_104, %broadcast_in_dim3A_137 : vector<2x1xf32>
      %max3A_222 = arith.maximumf %max3A, %broadcast_in_dim3A_173 : vector<2x1xf32>
      %max3A_223 = arith.maximumf %max3A_222, %broadcast_in_dim3A_209 : vector<2x1xf32>
      %broadcast_in_dim3A_224 = arith.constant 50176 : i32
      %broadcast_in_dim3A_225 = vector.broadcast %broadcast_in_dim3A_224 : i32 to vector<2x1xi32>
      %eq3A_226 = arith.cmpf oeq, %broadcast_in_dim3A_104, %max3A_223 : vector<2x1xf32>
      %jit3A_227 = arith.constant 50176 : i32
      %broadcast_in_dim3A_228 = vector.broadcast %jit3A_227 : i32 to vector<2x1xi32>
      %select_n3A_229 = arith.select %eq3A_226, %broadcast_in_dim3A_113, %broadcast_in_dim3A_228 : vector<2x1xi1>, vector<2x1xi32>
      %min3A_230 = arith.minsi %broadcast_in_dim3A_225, %select_n3A_229 : vector<2x1xi32>
      %eq3A_231 = arith.cmpf oeq, %broadcast_in_dim3A_137, %max3A_223 : vector<2x1xf32>
      %jit3A_232 = arith.constant 50176 : i32
      %broadcast_in_dim3A_233 = vector.broadcast %jit3A_232 : i32 to vector<2x1xi32>
      %select_n3A_234 = arith.select %eq3A_231, %broadcast_in_dim3A_149, %broadcast_in_dim3A_233 : vector<2x1xi1>, vector<2x1xi32>
      %min3A_235 = arith.minsi %min3A_230, %select_n3A_234 : vector<2x1xi32>
      %eq3A_236 = arith.cmpf oeq, %broadcast_in_dim3A_173, %max3A_223 : vector<2x1xf32>
      %jit3A_237 = arith.constant 50176 : i32
      %broadcast_in_dim3A_238 = vector.broadcast %jit3A_237 : i32 to vector<2x1xi32>
      %select_n3A_239 = arith.select %eq3A_236, %broadcast_in_dim3A_185, %broadcast_in_dim3A_238 : vector<2x1xi1>, vector<2x1xi32>
      %min3A_240 = arith.minsi %min3A_235, %select_n3A_239 : vector<2x1xi32>
      %eq3A_241 = arith.cmpf oeq, %broadcast_in_dim3A_209, %max3A_223 : vector<2x1xf32>
      %jit3A_242 = arith.constant 50176 : i32
      %broadcast_in_dim3A_243 = vector.broadcast %jit3A_242 : i32 to vector<2x1xi32>
      %select_n3A_244 = arith.select %eq3A_241, %broadcast_in_dim3A_221, %broadcast_in_dim3A_243 : vector<2x1xi1>, vector<2x1xi32>
      %min3A_245 = arith.minsi %min3A_240, %select_n3A_244 : vector<2x1xi32>
      %slice3A = vector.extract_strided_slice %min3A_245 {offsets = [0, 0], sizes = [1, 1], strides = [1, 1]} : vector<2x1xi32> to vector<1x1xi32>
      %squeeze3A = vector.extract %slice3A[0, 0] : i32 from vector<1x1xi32>
      %dma_wait3A_246 = arith.constant 0 : i32
      %dma_wait3A_247 = arith.constant 0 : i32
      %dma_wait3A_248 = arith.constant 0 : i32
      %dma_wait3A_249 = tpu.memref_slice %arg6[%dma_wait3A_248] : memref<2x!tpu.dma_semaphore, #tpu.memory_space<semaphore_mem>> -> memref<1x!tpu.dma_semaphore, #tpu.memory_space<semaphore_mem>>
      %dma_wait3A_250 = tpu.memref_squeeze %dma_wait3A_249 : memref<1x!tpu.dma_semaphore, #tpu.memory_space<semaphore_mem>> -> memref<!tpu.dma_semaphore, #tpu.memory_space<semaphore_mem>>
      %dma_wait3A_251 = arith.constant 0 : i32
      %dma_wait3A_252 = arith.constant 0 : i32
      %dma_wait3A_253 = tpu.memref_slice %arg3[%dma_wait3A_247, %dma_wait3A_251, %dma_wait3A_252] : memref<2x1024x96xf32, #tpu.memory_space<vmem>> -> memref<1x1x96xf32, #tpu.memory_space<vmem>>
      %dma_wait3A_254 = tpu.memref_squeeze %dma_wait3A_253 : memref<1x1x96xf32, #tpu.memory_space<vmem>> -> memref<1x96xf32, #tpu.memory_space<vmem>>
      %dma_wait3A_255 = arith.constant 0 : i32
      %dma_wait3A_256 = arith.constant 0 : i32
      %dma_wait3A_257 = tpu.memref_slice %arg2[%dma_wait3A_246, %dma_wait3A_255, %dma_wait3A_256] : memref<2x50176x96xf32, #tpu.memory_space<hbm>> -> memref<1x1x96xf32, #tpu.memory_space<hbm>>
      %dma_wait3A_258 = tpu.memref_squeeze %dma_wait3A_257 : memref<1x1x96xf32, #tpu.memory_space<hbm>> -> memref<1x96xf32, #tpu.memory_space<hbm>>
      tpu.wait_dma2 semaphore(%dma_wait3A_250 : memref<!tpu.dma_semaphore, #tpu.memory_space<semaphore_mem>>) src(%dma_wait3A_258 : memref<1x96xf32, #tpu.memory_space<hbm>>) dst(%dma_wait3A_254 : memref<1x96xf32, #tpu.memory_space<vmem>>)
      %dma_start3A_259 = arith.constant 0 : i32
      %dma_start3A_260 = arith.constant 0 : i32
      %dma_start3A_261 = arith.constant 0 : i32
      %dma_start3A_262 = tpu.memref_slice %arg6[%dma_start3A_261] : memref<2x!tpu.dma_semaphore, #tpu.memory_space<semaphore_mem>> -> memref<1x!tpu.dma_semaphore, #tpu.memory_space<semaphore_mem>>
      %dma_start3A_263 = tpu.memref_squeeze %dma_start3A_262 : memref<1x!tpu.dma_semaphore, #tpu.memory_space<semaphore_mem>> -> memref<!tpu.dma_semaphore, #tpu.memory_space<semaphore_mem>>
      %dma_start3A_264 = arith.constant 0 : i32
      %dma_start3A_265 = tpu.memref_slice %arg3[%dma_start3A_260, %scan3A_84, %dma_start3A_264] : memref<2x1024x96xf32, #tpu.memory_space<vmem>> -> memref<1x1x96xf32, #tpu.memory_space<vmem>>
      %dma_start3A_266 = tpu.memref_squeeze %dma_start3A_265 : memref<1x1x96xf32, #tpu.memory_space<vmem>> -> memref<1x96xf32, #tpu.memory_space<vmem>>
      %dma_start3A_267 = arith.constant 0 : i32
      %dma_start3A_268 = tpu.memref_slice %arg2[%dma_start3A_259, %squeeze3A, %dma_start3A_267] : memref<2x50176x96xf32, #tpu.memory_space<hbm>> -> memref<1x1x96xf32, #tpu.memory_space<hbm>>
      %dma_start3A_269 = tpu.memref_squeeze %dma_start3A_268 : memref<1x1x96xf32, #tpu.memory_space<hbm>> -> memref<1x96xf32, #tpu.memory_space<hbm>>
      tpu.enqueue_dma source(%dma_start3A_269 : memref<1x96xf32, #tpu.memory_space<hbm>>) target(%dma_start3A_266 : memref<1x96xf32, #tpu.memory_space<vmem>>) target_semaphore(%dma_start3A_263 : memref<!tpu.dma_semaphore, #tpu.memory_space<semaphore_mem>>)
      %jit3A_270 = arith.constant 128 : i32
      %div3A = arith.divsi %squeeze3A, %jit3A_270 : i32
      %sign3A = arith.constant 0 : i32
      %sign3A_271 = arith.cmpi sgt, %squeeze3A, %sign3A : i32
      %sign3A_272 = arith.extui %sign3A_271 : i1 to i32
      %sign3A_273 = arith.constant 0 : i32
      %sign3A_274 = arith.cmpi slt, %squeeze3A, %sign3A_273 : i32
      %sign3A_275 = arith.extui %sign3A_274 : i1 to i32
      %sign3A_276 = arith.subi %sign3A_272, %sign3A_275 : i32
      %sign3A_277 = arith.constant 0 : i32
      %sign3A_278 = arith.cmpi sgt, %jit3A_270, %sign3A_277 : i32
      %sign3A_279 = arith.extui %sign3A_278 : i1 to i32
      %sign3A_280 = arith.constant 0 : i32
      %sign3A_281 = arith.cmpi slt, %jit3A_270, %sign3A_280 : i32
      %sign3A_282 = arith.extui %sign3A_281 : i1 to i32
      %sign3A_283 = arith.subi %sign3A_279, %sign3A_282 : i32
      %ne3A = arith.cmpi ne, %sign3A_276, %sign3A_283 : i32
      %rem3A = arith.remsi %squeeze3A, %jit3A_270 : i32
      %ne3A_284 = arith.constant 0 : i32
      %ne3A_285 = arith.cmpi ne, %rem3A, %ne3A_284 : i32
      %and3A_286 = arith.andi %ne3A, %ne3A_285 : i1
      %sub3A_287 = arith.constant 1 : i32
      %sub3A_288 = arith.subi %div3A, %sub3A_287 : i32
      %select_n3A_289 = arith.select %and3A_286, %sub3A_288, %div3A : i32
      %mul3A_290 = arith.constant 128 : i32
      %mul3A_291 = arith.muli %select_n3A_289, %mul3A_290 : i32
      %multiple_of3A = tpu.assume_multiple %mul3A_291, 128 : i32
      %sub3A_292 = arith.subi %squeeze3A, %multiple_of3A : i32
      %get3A_293 = arith.constant 0 : index
      %get3A_294 = arith.index_cast %multiple_of3A : i32 to index
      %get3A_295 = vector.load %arg4[%get3A_293, %get3A_294] : memref<224x50176xbf16, #tpu.memory_space<vmem>>, vector<224x128xbf16>
      %iota3A_296 = tpu.iota {dimensions = array<i32: 1>} : vector<224x128xi32>
      %eq3A_297 = vector.broadcast %sub3A_292 : i32 to vector<224x128xi32>
      %eq3A_298 = arith.cmpi eq, %iota3A_296, %eq3A_297 : vector<224x128xi32>
      %convert_element_type3A_299 = arith.extf %get3A_295 : vector<224x128xbf16> to vector<224x128xf32>
      %jit3A_300 = arith.constant 0.000000e+00 : f32
      %broadcast_in_dim3A_301 = vector.broadcast %jit3A_300 : f32 to vector<224x128xf32>
      %select_n3A_302 = arith.select %eq3A_298, %convert_element_type3A_299, %broadcast_in_dim3A_301 : vector<224x128xi1>, vector<224x128xf32>
      %reduce_sum3A = arith.constant dense<0.000000e+00> : vector<224xf32>
      %reduce_sum3A_303 = vector.multi_reduction <add>, %select_n3A_302, %reduce_sum3A [1] : vector<224x128xf32> to vector<224xf32>
      %broadcast_in_dim3A_304 = vector.shape_cast %reduce_sum3A_303 : vector<224xf32> to vector<224x1xf32>
      %convert_element_type3A_305 = arith.truncf %broadcast_in_dim3A_304 : vector<224x1xf32> to vector<224x1xbf16>
      %get3A_306 = arith.constant 0 : index
      %get3A_307 = arith.index_cast %multiple_of3A : i32 to index
      %get3A_308 = vector.load %arg1[%get3A_306, %get3A_307] : memref<2x50176xf32, #tpu.memory_space<vmem>>, vector<1x128xf32>
      %iota3A_309 = tpu.iota {dimensions = array<i32: 1>} : vector<1x128xi32>
      %eq3A_310 = vector.broadcast %sub3A_292 : i32 to vector<1x128xi32>
      %eq3A_311 = arith.cmpi eq, %iota3A_309, %eq3A_310 : vector<1x128xi32>
      %jit3A_312 = arith.constant 0.000000e+00 : f32
      %broadcast_in_dim3A_313 = vector.broadcast %jit3A_312 : f32 to vector<1x128xf32>
      %select_n3A_314 = arith.select %eq3A_311, %get3A_308, %broadcast_in_dim3A_313 : vector<1x128xi1>, vector<1x128xf32>
      %reduce_sum3A_315 = arith.constant dense<0.000000e+00> : vector<1xf32>
      %reduce_sum3A_316 = vector.multi_reduction <add>, %select_n3A_314, %reduce_sum3A_315 [1] : vector<1x128xf32> to vector<1xf32>
      %broadcast_in_dim3A_317 = vector.shape_cast %reduce_sum3A_316 : vector<1xf32> to vector<1x1xf32>
      %slice3A_318 = vector.extract_strided_slice %min3A_245 {offsets = [1, 0], sizes = [1, 1], strides = [1, 1]} : vector<2x1xi32> to vector<1x1xi32>
      %squeeze3A_319 = vector.extract %slice3A_318[0, 0] : i32 from vector<1x1xi32>
      %dma_wait3A_320 = arith.constant 1 : i32
      %dma_wait3A_321 = arith.constant 1 : i32
      %dma_wait3A_322 = arith.constant 1 : i32
      %dma_wait3A_323 = tpu.memref_slice %arg6[%dma_wait3A_322] : memref<2x!tpu.dma_semaphore, #tpu.memory_space<semaphore_mem>> -> memref<1x!tpu.dma_semaphore, #tpu.memory_space<semaphore_mem>>
      %dma_wait3A_324 = tpu.memref_squeeze %dma_wait3A_323 : memref<1x!tpu.dma_semaphore, #tpu.memory_space<semaphore_mem>> -> memref<!tpu.dma_semaphore, #tpu.memory_space<semaphore_mem>>
      %dma_wait3A_325 = arith.constant 0 : i32
      %dma_wait3A_326 = arith.constant 0 : i32
      %dma_wait3A_327 = tpu.memref_slice %arg3[%dma_wait3A_321, %dma_wait3A_325, %dma_wait3A_326] : memref<2x1024x96xf32, #tpu.memory_space<vmem>> -> memref<1x1x96xf32, #tpu.memory_space<vmem>>
      %dma_wait3A_328 = tpu.memref_squeeze %dma_wait3A_327 : memref<1x1x96xf32, #tpu.memory_space<vmem>> -> memref<1x96xf32, #tpu.memory_space<vmem>>
      %dma_wait3A_329 = arith.constant 0 : i32
      %dma_wait3A_330 = arith.constant 0 : i32
      %dma_wait3A_331 = tpu.memref_slice %arg2[%dma_wait3A_320, %dma_wait3A_329, %dma_wait3A_330] : memref<2x50176x96xf32, #tpu.memory_space<hbm>> -> memref<1x1x96xf32, #tpu.memory_space<hbm>>
      %dma_wait3A_332 = tpu.memref_squeeze %dma_wait3A_331 : memref<1x1x96xf32, #tpu.memory_space<hbm>> -> memref<1x96xf32, #tpu.memory_space<hbm>>
      tpu.wait_dma2 semaphore(%dma_wait3A_324 : memref<!tpu.dma_semaphore, #tpu.memory_space<semaphore_mem>>) src(%dma_wait3A_332 : memref<1x96xf32, #tpu.memory_space<hbm>>) dst(%dma_wait3A_328 : memref<1x96xf32, #tpu.memory_space<vmem>>)
      %dma_start3A_333 = arith.constant 1 : i32
      %dma_start3A_334 = arith.constant 1 : i32
      %dma_start3A_335 = arith.constant 1 : i32
      %dma_start3A_336 = tpu.memref_slice %arg6[%dma_start3A_335] : memref<2x!tpu.dma_semaphore, #tpu.memory_space<semaphore_mem>> -> memref<1x!tpu.dma_semaphore, #tpu.memory_space<semaphore_mem>>
      %dma_start3A_337 = tpu.memref_squeeze %dma_start3A_336 : memref<1x!tpu.dma_semaphore, #tpu.memory_space<semaphore_mem>> -> memref<!tpu.dma_semaphore, #tpu.memory_space<semaphore_mem>>
      %dma_start3A_338 = arith.constant 0 : i32
      %dma_start3A_339 = tpu.memref_slice %arg3[%dma_start3A_334, %scan3A_84, %dma_start3A_338] : memref<2x1024x96xf32, #tpu.memory_space<vmem>> -> memref<1x1x96xf32, #tpu.memory_space<vmem>>
      %dma_start3A_340 = tpu.memref_squeeze %dma_start3A_339 : memref<1x1x96xf32, #tpu.memory_space<vmem>> -> memref<1x96xf32, #tpu.memory_space<vmem>>
      %dma_start3A_341 = arith.constant 0 : i32
      %dma_start3A_342 = tpu.memref_slice %arg2[%dma_start3A_333, %squeeze3A_319, %dma_start3A_341] : memref<2x50176x96xf32, #tpu.memory_space<hbm>> -> memref<1x1x96xf32, #tpu.memory_space<hbm>>
      %dma_start3A_343 = tpu.memref_squeeze %dma_start3A_342 : memref<1x1x96xf32, #tpu.memory_space<hbm>> -> memref<1x96xf32, #tpu.memory_space<hbm>>
      tpu.enqueue_dma source(%dma_start3A_343 : memref<1x96xf32, #tpu.memory_space<hbm>>) target(%dma_start3A_340 : memref<1x96xf32, #tpu.memory_space<vmem>>) target_semaphore(%dma_start3A_337 : memref<!tpu.dma_semaphore, #tpu.memory_space<semaphore_mem>>)
      %jit3A_344 = arith.constant 128 : i32
      %div3A_345 = arith.divsi %squeeze3A_319, %jit3A_344 : i32
      %sign3A_346 = arith.constant 0 : i32
      %sign3A_347 = arith.cmpi sgt, %squeeze3A_319, %sign3A_346 : i32
      %sign3A_348 = arith.extui %sign3A_347 : i1 to i32
      %sign3A_349 = arith.constant 0 : i32
      %sign3A_350 = arith.cmpi slt, %squeeze3A_319, %sign3A_349 : i32
      %sign3A_351 = arith.extui %sign3A_350 : i1 to i32
      %sign3A_352 = arith.subi %sign3A_348, %sign3A_351 : i32
      %sign3A_353 = arith.constant 0 : i32
      %sign3A_354 = arith.cmpi sgt, %jit3A_344, %sign3A_353 : i32
      %sign3A_355 = arith.extui %sign3A_354 : i1 to i32
      %sign3A_356 = arith.constant 0 : i32
      %sign3A_357 = arith.cmpi slt, %jit3A_344, %sign3A_356 : i32
      %sign3A_358 = arith.extui %sign3A_357 : i1 to i32
      %sign3A_359 = arith.subi %sign3A_355, %sign3A_358 : i32
      %ne3A_360 = arith.cmpi ne, %sign3A_352, %sign3A_359 : i32
      %rem3A_361 = arith.remsi %squeeze3A_319, %jit3A_344 : i32
      %ne3A_362 = arith.constant 0 : i32
      %ne3A_363 = arith.cmpi ne, %rem3A_361, %ne3A_362 : i32
      %and3A_364 = arith.andi %ne3A_360, %ne3A_363 : i1
      %sub3A_365 = arith.constant 1 : i32
      %sub3A_366 = arith.subi %div3A_345, %sub3A_365 : i32
      %select_n3A_367 = arith.select %and3A_364, %sub3A_366, %div3A_345 : i32
      %mul3A_368 = arith.constant 128 : i32
      %mul3A_369 = arith.muli %select_n3A_367, %mul3A_368 : i32
      %multiple_of3A_370 = tpu.assume_multiple %mul3A_369, 128 : i32
      %sub3A_371 = arith.subi %squeeze3A_319, %multiple_of3A_370 : i32
      %get3A_372 = arith.constant 0 : index
      %get3A_373 = arith.index_cast %multiple_of3A_370 : i32 to index
      %get3A_374 = vector.load %arg4[%get3A_372, %get3A_373] : memref<224x50176xbf16, #tpu.memory_space<vmem>>, vector<224x128xbf16>
      %iota3A_375 = tpu.iota {dimensions = array<i32: 1>} : vector<224x128xi32>
      %eq3A_376 = vector.broadcast %sub3A_371 : i32 to vector<224x128xi32>
      %eq3A_377 = arith.cmpi eq, %iota3A_375, %eq3A_376 : vector<224x128xi32>
      %convert_element_type3A_378 = arith.extf %get3A_374 : vector<224x128xbf16> to vector<224x128xf32>
      %jit3A_379 = arith.constant 0.000000e+00 : f32
      %broadcast_in_dim3A_380 = vector.broadcast %jit3A_379 : f32 to vector<224x128xf32>
      %select_n3A_381 = arith.select %eq3A_377, %convert_element_type3A_378, %broadcast_in_dim3A_380 : vector<224x128xi1>, vector<224x128xf32>
      %reduce_sum3A_382 = arith.constant dense<0.000000e+00> : vector<224xf32>
      %reduce_sum3A_383 = vector.multi_reduction <add>, %select_n3A_381, %reduce_sum3A_382 [1] : vector<224x128xf32> to vector<224xf32>
      %broadcast_in_dim3A_384 = vector.shape_cast %reduce_sum3A_383 : vector<224xf32> to vector<224x1xf32>
      %convert_element_type3A_385 = arith.truncf %broadcast_in_dim3A_384 : vector<224x1xf32> to vector<224x1xbf16>
      %get3A_386 = arith.constant 1 : index
      %get3A_387 = arith.index_cast %multiple_of3A_370 : i32 to index
      %get3A_388 = vector.load %arg1[%get3A_386, %get3A_387] : memref<2x50176xf32, #tpu.memory_space<vmem>>, vector<1x128xf32>
      %iota3A_389 = tpu.iota {dimensions = array<i32: 1>} : vector<1x128xi32>
      %eq3A_390 = vector.broadcast %sub3A_371 : i32 to vector<1x128xi32>
      %eq3A_391 = arith.cmpi eq, %iota3A_389, %eq3A_390 : vector<1x128xi32>
      %jit3A_392 = arith.constant 0.000000e+00 : f32
      %broadcast_in_dim3A_393 = vector.broadcast %jit3A_392 : f32 to vector<1x128xf32>
      %select_n3A_394 = arith.select %eq3A_391, %get3A_388, %broadcast_in_dim3A_393 : vector<1x128xi1>, vector<1x128xf32>
      %reduce_sum3A_395 = arith.constant dense<0.000000e+00> : vector<1xf32>
      %reduce_sum3A_396 = vector.multi_reduction <add>, %select_n3A_394, %reduce_sum3A_395 [1] : vector<1x128xf32> to vector<1xf32>
      %broadcast_in_dim3A_397 = vector.shape_cast %reduce_sum3A_396 : vector<1xf32> to vector<1x1xf32>
      %ge3A_398 = arith.constant 0 : i32
      %ge3A_399 = vector.broadcast %ge3A_398 : i32 to vector<224x1xi32>
      %ge3A_400 = arith.cmpi sge, %iota3A, %ge3A_399 : vector<224x1xi32>
      %lt3A_401 = arith.constant 96 : i32
      %lt3A_402 = vector.broadcast %lt3A_401 : i32 to vector<224x1xi32>
      %lt3A_403 = arith.cmpi slt, %iota3A, %lt3A_402 : vector<224x1xi32>
      %and3A_404 = arith.andi %ge3A_400, %lt3A_403 : vector<224x1xi1>
      %select_n3A_405 = arith.select %and3A_404, %convert_element_type3A_305, %broadcast_in_dim3A_10 : vector<224x1xi1>, vector<224x1xbf16>
      %ge3A_406 = arith.constant 128 : i32
      %ge3A_407 = vector.broadcast %ge3A_406 : i32 to vector<224x1xi32>
      %ge3A_408 = arith.cmpi sge, %iota3A, %ge3A_407 : vector<224x1xi32>
      %lt3A_409 = arith.constant 224 : i32
      %lt3A_410 = vector.broadcast %lt3A_409 : i32 to vector<224x1xi32>
      %lt3A_411 = arith.cmpi slt, %iota3A, %lt3A_410 : vector<224x1xi32>
      %and3A_412 = arith.andi %ge3A_408, %lt3A_411 : vector<224x1xi1>
      %select_n3A_413 = arith.select %and3A_412, %convert_element_type3A_385, %broadcast_in_dim3A_10 : vector<224x1xi1>, vector<224x1xbf16>
      %concatenate3A_414 = tpu.concatenate %select_n3A_405, %select_n3A_413 in 1 : vector<224x1xbf16>, vector<224x1xbf16> -> vector<224x2xbf16>
      %concatenate3A_415 = tpu.concatenate %broadcast_in_dim3A_317, %broadcast_in_dim3A_397 in 0 : vector<1x1xf32>, vector<1x1xf32> -> vector<2x1xf32>
      scf.yield %concatenate3A_414, %concatenate3A_415 : vector<224x2xbf16>, vector<2x1xf32>
    }
    %scan3A_58 = arith.constant 1023 : i32
    %dma_wait3A = arith.constant 0 : i32
    %dma_wait3A_59 = arith.constant 0 : i32
    %dma_wait3A_60 = arith.constant 0 : i32
    %dma_wait3A_61 = tpu.memref_slice %arg6[%dma_wait3A_60] : memref<2x!tpu.dma_semaphore, #tpu.memory_space<semaphore_mem>> -> memref<1x!tpu.dma_semaphore, #tpu.memory_space<semaphore_mem>>
    %dma_wait3A_62 = tpu.memref_squeeze %dma_wait3A_61 : memref<1x!tpu.dma_semaphore, #tpu.memory_space<semaphore_mem>> -> memref<!tpu.dma_semaphore, #tpu.memory_space<semaphore_mem>>
    %dma_wait3A_63 = arith.constant 0 : i32
    %dma_wait3A_64 = arith.constant 0 : i32
    %dma_wait3A_65 = tpu.memref_slice %arg3[%dma_wait3A_59, %dma_wait3A_63, %dma_wait3A_64] : memref<2x1024x96xf32, #tpu.memory_space<vmem>> -> memref<1x1x96xf32, #tpu.memory_space<vmem>>
    %dma_wait3A_66 = tpu.memref_squeeze %dma_wait3A_65 : memref<1x1x96xf32, #tpu.memory_space<vmem>> -> memref<1x96xf32, #tpu.memory_space<vmem>>
    %dma_wait3A_67 = arith.constant 0 : i32
    %dma_wait3A_68 = arith.constant 0 : i32
    %dma_wait3A_69 = tpu.memref_slice %arg2[%dma_wait3A, %dma_wait3A_67, %dma_wait3A_68] : memref<2x50176x96xf32, #tpu.memory_space<hbm>> -> memref<1x1x96xf32, #tpu.memory_space<hbm>>
    %dma_wait3A_70 = tpu.memref_squeeze %dma_wait3A_69 : memref<1x1x96xf32, #tpu.memory_space<hbm>> -> memref<1x96xf32, #tpu.memory_space<hbm>>
    tpu.wait_dma2 semaphore(%dma_wait3A_62 : memref<!tpu.dma_semaphore, #tpu.memory_space<semaphore_mem>>) src(%dma_wait3A_70 : memref<1x96xf32, #tpu.memory_space<hbm>>) dst(%dma_wait3A_66 : memref<1x96xf32, #tpu.memory_space<vmem>>)
    %dma_wait3A_71 = arith.constant 1 : i32
    %dma_wait3A_72 = arith.constant 1 : i32
    %dma_wait3A_73 = arith.constant 1 : i32
    %dma_wait3A_74 = tpu.memref_slice %arg6[%dma_wait3A_73] : memref<2x!tpu.dma_semaphore, #tpu.memory_space<semaphore_mem>> -> memref<1x!tpu.dma_semaphore, #tpu.memory_space<semaphore_mem>>
    %dma_wait3A_75 = tpu.memref_squeeze %dma_wait3A_74 : memref<1x!tpu.dma_semaphore, #tpu.memory_space<semaphore_mem>> -> memref<!tpu.dma_semaphore, #tpu.memory_space<semaphore_mem>>
    %dma_wait3A_76 = arith.constant 0 : i32
    %dma_wait3A_77 = arith.constant 0 : i32
    %dma_wait3A_78 = tpu.memref_slice %arg3[%dma_wait3A_72, %dma_wait3A_76, %dma_wait3A_77] : memref<2x1024x96xf32, #tpu.memory_space<vmem>> -> memref<1x1x96xf32, #tpu.memory_space<vmem>>
    %dma_wait3A_79 = tpu.memref_squeeze %dma_wait3A_78 : memref<1x1x96xf32, #tpu.memory_space<vmem>> -> memref<1x96xf32, #tpu.memory_space<vmem>>
    %dma_wait3A_80 = arith.constant 0 : i32
    %dma_wait3A_81 = arith.constant 0 : i32
    %dma_wait3A_82 = tpu.memref_slice %arg2[%dma_wait3A_71, %dma_wait3A_80, %dma_wait3A_81] : memref<2x50176x96xf32, #tpu.memory_space<hbm>> -> memref<1x1x96xf32, #tpu.memory_space<hbm>>
    %dma_wait3A_83 = tpu.memref_squeeze %dma_wait3A_82 : memref<1x1x96xf32, #tpu.memory_space<hbm>> -> memref<1x96xf32, #tpu.memory_space<hbm>>
    tpu.wait_dma2 semaphore(%dma_wait3A_75 : memref<!tpu.dma_semaphore, #tpu.memory_space<semaphore_mem>>) src(%dma_wait3A_83 : memref<1x96xf32, #tpu.memory_space<hbm>>) dst(%dma_wait3A_79 : memref<1x96xf32, #tpu.memory_space<vmem>>)
    return
  }
}

</mosaic_0001>

<sc_bundles>
// kernel: sparse-core-data-format-call.cloned.1.call-start
scs
called_computation_lowered:
.L_overlay_start_0:
0x0: {  	s2 =	sld [smem:$0x3FD9]  }
0x1: {  	s3 =	sld [smem:$0x3FFE];
	_ =	sdelay $0x1  }
0x2: {  	s1 =	srdreg.scid  }
0x3: {  	s0 =	sand.u32 $0x1, s1  }
0x4: {  	s18 =	sshll.u32 s0, $0xA;
	s2 =	sadd.s32 s3, s2  }
0x5: {  	s2 =	sadd.s32 s2, s18  }
0x6: {  	[smem:$0x3FC7] =	sst s2  }
0x7: {  	_ = 	snop  }
0x8: {  	s2 =	sld [smem:$0x3FC9];
	(tm) =	ssettm $0x1  }
0x9: {  	s19 =	sld [smem:$0x3FFB];
	_ =	sdelay $0x3  }
0xa: {  	_ =	strace s19  }
0xb: {  	s3 =	sld [smem:$0x3FFC];
	_ =	sdelay $0x3  }
0xc: {  	_ =	strace s3  }
0xd: {  	s3 =	sld [smem:$0x3FFD];
	_ =	sdelay $0x3  }
0xe: {  	_ =	strace s3  }
0xf: {  	_ =	strace $0x8FFFFFFF  }
0x10: {  	s20 =	sld [smem:$0x3FDB];
	_ =	sdelay $0x1  }
0x11: {  	s4 =	simm.s32 $_scs_section_size  }
0x12: {  	s5 =	simm.s32 $_size__tile_overlayer_lowered;
	s6 =	simm.s32 $_tile_overlayer_lowered  }
0x13: {  	s23 =	simm.s32 $0x1BFF;
	s22 =	sshll.u32 s6, $0x1;
	s3 =	sadd.s32 s4, s20  }
0x14: {  	s7 =	simm.s32 $0x0;
	s21 =	sshll.u32 s5, $0x1;
	s5 =	sadd.s32 s22, s3  }
0x15: {  	[timem:s7], [sflag:s23] =	dma.local [hbm:s5], s21  }
0x16: {  	_ =	swait.ge [sflag:s23], s21  }
0x17: {  	s4 =	ssub.s32 $0x0, s21;
	[sflag:s23] =	ssyncset.done $0x0  }
0x18: {  	[sflag:s23] =	ssyncadd.s32 s4;
	_ =	sdelay $0x1  }
0x19: {  	s24 =	simm.s32 $0x1B8B  }
0x1a: {  	_ =	swait.ge [sflag:s24], $0x1  }
0x1b: {  	[sflag:s24] =	ssyncset.done $0x0  }
0x1c: {  	s26 =	simm.s32 $0x1B8E;
	s25 =	sld [smem:$0x3FFE];
	[sflag:s24] =	ssyncadd.s32 $0xFFFFFFFF  }
0x1d: {  	s27 =	simm.s32 $execute0_lowered;
	[smem:$0x3FD2] =	sst s26  }
0x1e: {  	s5 =	sshll.u32 s27, $0x1;
	_ =	strace $0x80000046;
	[dreg:$0x1] =	wrdreg $0xFFFFFFFF  }
0x1f: {  	s28 =	simm.s32 $_size_execute0_lowered;
	s3 =	sadd.s32 s3, s5;
	[dreg:$0x0] =	wrdreg $0x0  }
0x20: {  	s5 =	sshll.u32 s28, $0x1;
	[dreg:$0x2] =	wrdreg s3  }
0x21: {  	[dreg:$0x3] =	wrdreg s5  }
0x22: {  	[dreg:$0x4] =	wrdreg $0xC0  }
0x23: {  	_ =	task [dreg:s7], $0x5FFFF  }
0x24: {  	[dreg:$0x1] =	wrdreg $0xFFFFFFFF  }
0x25: {  	[dreg:$0x0] =	wrdreg $0x60  }
0x26: {  	[dreg:$0x2] =	wrdreg s2  }
0x27: {  	[dreg:$0x3] =	wrdreg s25  }
0x28: {  	[dreg:$0x4] =	wrdreg $0x9  }
0x29: {  	_ =	task.clear_ibuf [dreg:s7], $0x5FFFF;
	_ =	strace $0x90000046  }
0x2a: {  	s29 =	simm.s32 $0x9;
	_ =	strace $0x80000048  }
0x2b: {  	_ =	swait.ge [sflag:s29], $0x1  }
0x2c: {  	[sflag:s29] =	ssyncadd.s32 $0xFFFFFFFF  }
0x2d: {  	_ =	strace $0x90000048  }
0x2e: {  	_ =	sfence  }
0x2f: {  	s30 =	sld [smem:$0x0];
	_ =	sdelay $0x2  }
0x30: {  	s31 =	sshll.u32 s1, $0xD;
	s1 =	sshrl.u32 s1, $0x2  }
0x31: {  	s3 =	sand.u32 $0x4000, s31;
	s1 =	sadd.s32 s1, s30  }
0x32: {  	s0 =	sor.u32 s3, s0;
	s1 =	sshll.u32 s1, $0x11  }
0x33: {  	s0 =	sor.u32 s1, s0  }
0x34: {  	s0 =	sadd.s32 $0x8F2B, s0  }
0x35: {  	[sflag:s0] =	ssyncadd.remote.s32 $0x1  }
0x36: {  	_ =	sfence.sel $0xFFFF  }
0x37: {  	[dreg:$0x0] =	wrdreg $0xFFFFFFFF;
	(pc) =	sbr.abs _section_cstart, $3  }
0x38: {  	[dreg:$0x1] =	wrdreg $0xFFFFFFFF  }
0x39: {  	_ =	task.clear_ibuf [dreg:s7], $0x2FFFF;
	_ =	strace $0x9FFFFFFF  }
0x3a: {  	(tm) =	ssettm $0x7FFFFFFF  }
0x3b: {  	_ =	shalt  }
tec
execute0_lowered:
.L_overlay_start_1:
0x0: {  	(tag) =	ssettag $0x1  }
0x1: {  	s3 =	stileid.u32;
	s1 =	srdreg.scid;
	_ =	strace $0x80000047  }
0x2: {  	s29 =	simm.s32 $0x1;
	s31 =	simm.s32 $0x2;
	s21 =	simm.s32 $0x0  }
0x3: {  	s23 =	simm.s32 $0x0;
	s22 =	simm.s32 $0x0;
	s24 =	simm.s32 $0x0  }
0x4: {  	s12 =	simm.s32 $0x0;
	s13 =	simm.s32 $0x0;
	s14 =	simm.s32 $0x0  }
0x5: {  	s16 =	simm.s32 $0x0;
	s15 =	simm.s32 $0x0;
	s8 =	sand.u32 $0x1, s3  }
0x6: {  	s18 =	simm.s32 $0x0;
	s1 =	sshll.u32 s1, $0x4;
	s0 =	ssub.s32 $0x2, s8  }
0x7: {  	s1 =	sand.u32 $0x10, s1;
	s2 =	sshrl.u32 s0, $0x1;
	s0 =	sand.u32 $0x1, s0  }
.Ltmp0:
0x8: {  	s30 =	sor.u32 s3, s1;
	s0 =	sadd.s32 s0, s2;
	(pc) =	sbr.rel .LBB1_1-.Ltmp0, $4  }
0x9: {  	[dreg:$0x3] =	wrdreg s8;
	s10 =	sshrl.u32 s30, $0x1;
	s9 =	smul.u32 $0x1C, s0  }
0xa: {  	s20 =	simm.s32 $0x0;
	[sflag:s29] =	ssyncpa.u1 $0x0;
	[dreg:$0x5] =	wrdreg s10  }
0xb: {  	[sflag:s31] =	ssyncpa.u1 $0x0;
	s11 =	sor.u32 $0x1, s9;
	[dreg:$0x4] =	wrdreg s9  }
0xc: {  	s19 =	smov.u32 s8;
	s17 =	smov.u32 s10;
	[dreg:$0x6] =	wrdreg s11  }
.LBB1_18:
0xd: {  	s12 =	rddreg [dreg:$0x7]  }
0xe: {  	s14 =	rddreg [dreg:$0x9]  }
0xf: {  	s22 =	rddreg [dreg:$0x15]  }
0x10: {  	s4 =	rddreg [dreg:$0x14]  }
0x11: {  	s24 =	rddreg [dreg:$0x17]  }
0x12: {  	s5 =	rddreg [dreg:$0x16]  }
0x13: {  	s16 =	rddreg [dreg:$0xb]  }
0x14: {  	s13 =	rddreg [dreg:$0x8]  }
0x15: {  	s6 =	rddreg [dreg:$0x1]  }
0x16: {  	s30 =	rddreg [dreg:$0x18]  }
0x17: {  	s8 =	rddreg [dreg:$0x3]  }
0x18: {  	s9 =	rddreg [dreg:$0x4]  }
0x19: {  	s10 =	rddreg [dreg:$0x5]  }
0x1a: {  	s11 =	rddreg [dreg:$0x6]  }
0x1b: {  	s15 =	rddreg [dreg:$0xa]  }
0x1c: {  	s17 =	rddreg [dreg:$0xc]  }
0x1d: {  	s18 =	rddreg [dreg:$0xd]  }
0x1e: {  	s19 =	rddreg [dreg:$0xe]  }
0x1f: {  	s20 =	rddreg [dreg:$0xf]  }
0x20: {  	s21 =	rddreg [dreg:$0x10]  }
0x21: {  	s0 =	sshll.u32 s12, $0x7;
	s1 =	sshll.u32 s14, $0x3;
	p0 =	sgt.s32 s14, $0x0  }
0x22: {  	s3 =	smov.u32 s12;
	s2 =	sand.u32 $0xFFFFFC00, s0;
	s1 =	sand.u32 $0xFFFFFC00, s1  }
0x23: {  	s25 =	smul.u32 $0xC4000, s16;
	s1 =	sadd.s32 s1, s2;
	s2 =	smov.u32 s14  }
0x24: {  	s26 =	smul.u32 $0xE00, s13;
	s0 =	sand.u32 $0x380, s0;
	s2 =	simm.s32 @!p0 $0x0  }
0x25: {  	s27 =	sshrl.u32 s14, $0x3;
	s0 =	sor.u32 s0, s1;
	s1 =	sadd.s32 s2, s22  }
0x26: {  	s0 =	sshrl.u32 s0, $0x7;
	p0 =	sgt.s32 s1, $0x7F;
	s1 =	ssub.s32 $0x80, s1  }
0x27: {  	s23 =	smulhi.u32 $0x2492493, s0;
	s1 =	simm.s32 @p0 $0x0;
	p0 =	sgt.s32 s12, $0x60  }
0x28: {  	s31 =	sand.u32 $0x7, s14;
	s28 =	sand.u32 $0xF, s27;
	s3 =	simm.s32 @!p0 $0x60  }
0x29: {  	s2 =	sshrl.u32 s23, $0x1;
	s1 =	smul.u32 s4, s1;
	s3 =	sadd.s32 s24, s3  }
0x2a: {  	s22 =	rddreg [dreg:$0x11];
	s2 =	smul.u32 $0xE0, s2;
	s4 =	sadd.s32 $0xFFFFFFA0, s3  }
0x2b: {  	s1 =	smul.u32 s5, s1;
	s3 =	ssub.s32 $0xE0, s3;
	p0 =	sgt.s32 s4, $0x7F  }
0x2c: {  	s23 =	rddreg [dreg:$0x12];
	s4 =	sadd.s32 s6, s25;
	s3 =	simm.s32 @p0 $0x0  }
0x2d: {  	s0 =	ssub.s32 s0, s2;
	s29 =	sadd.s32 s26, s4;
	s1 =	smul.u32 s3, s1  }
0x2e: {  	s24 =	rddreg [dreg:$0x13];
	s0 =	sshll.u32 s0, $0x4;
	s2 =	sadd.s32 s28, s29  }
0x2f: {  	s3 =	sor.u32 $0x8000, s30;
	s0 =	sadd.s32 s0, s2;
	s1 =	sand.u32 $0x3FFFFFFF, s1  }
0x30: {  	[hbm4b:s0+s31] =	stream.linear.scatter [tilespmem:s3], [sflag:$0x2], s1, $0x20;
	[tilespmem:$0x10100] =	vst v63  }
.LBB1_19:
0x31: {  	p0 =	slt.u32 s20, $0x2  }
0x32: {  	s0 =	smov.u32 s24;
	s2 =	smov.u32 s23;
	s5 =	smov.u32 s17  }
0x33: {  	p1 =	sgt.s32 @!p0 s24, $0x1;
	s1 =	sshra.s32 @!p0 s24, $0x1F;
	s3 =	sshra.s32 @!p0 s23, $0x1F  }
0x34: {  	p2 =	sgt.s32 @!p0 s21, $0x60;
	s4 =	sshra.s32 @!p0 s21, $0x1F;
	p1 =	por !p1, p0  }
0x35: {  	s1 =	sand.u32 @!p0 s1, s24;
	p2 =	por !p2, p0;
	s4 =	sand.u32 @!p0 s4, s21  }
0x36: {  	s0 =	simm.s32 @p1 $0x1;
	p1 =	sgt.s32 @!p0 s23, $0xDF;
	s1 =	sxor.u32 @!p0 $0xFFFFFFFF, s1  }
0x37: {  	s24 =	smov.u32 s16;
	p1 =	por !p1, p0;
	s0 =	sadd.s32 @!p0 s1, s0  }
0x38: {  	s1 =	sand.u32 @!p0 s3, s23;
	s3 =	smov.u32 s21;
	s2 =	simm.s32 @p1 $0xDF  }
0x39: {  	p1 =	sgt.s32 @!p0 s0, $0x0;
	s0 =	ssub.s32 @!p0 $0x1, s0;
	s1 =	ssub.s32 @!p0 s2, s1  }
0x3a: {  	s3 =	simm.s32 @p2 $0x60;
	p1 =	por !p1, p0;
	s2 =	sadd.s32 @!p0 $0xFFFFFF21, s1  }
0x3b: {  	s0 =	simm.s32 @!p1 $0x0;
	p1 =	sgt.s32 @!p0 s2, $0x0;
	s2 =	ssub.s32 @!p0 $0x0, s22  }
0x3c: {  	s16 =	smov.u32 s19;
	s3 =	ssub.s32 @!p0 s3, s4;
	s2 =	smin.u32 @!p0 s22, s2  }
0x3d: {  	s1 =	ssub.s32 @!p0 $0xE0, s1;
	s4 =	sadd.s32 @!p0 $0xFFFFFFA0, s3;
	p2 =	sgt.s32 @!p0 s2, $0x7F  }
0x3e: {  	p1 =	por !p1, p0;
	s2 =	ssub.s32 @!p0 $0x80, s2;
	p2 =	por !p2, p0  }
0x3f: {  	s3 =	ssub.s32 @!p0 $0xE0, s3;
	s1 =	simm.s32 @!p1 $0x0;
	s2 =	simm.s32 @!p2 $0x0  }
0x40: {  	p1 =	sgt.s32 @!p0 s4, $0x7F;
	s0 =	smul.u32 @!p0 s0, s2;
	s2 =	sadd.s32 $0x80, s15  }
0x41: {  	s4 =	sadd.s32 $0x10, s17;
	p1 =	por !p1, p0;
	p2 =	sgt.s32 s2, $0xDF  }
0x42: {  	s3 =	simm.s32 @!p1 $0x0;
	s0 =	smul.u32 @!p0 s1, s0;
	s5 =	smov.u32 @p2 s4  }
0x43: {  	s1 =	sadd.s32 $0x80, s18;
	s4 =	smov.u32 s18;
	p1 =	sgt.s32 s5, $0xDF  }
0x44: {  	s2 =	simm.s32 @p2 $0x0;
	s0 =	smul.u32 @!p0 s3, s0;
	s4 =	smov.u32 @p1 s1  }
0x45: {  	s1 =	sadd.s32 $0x2, s19;
	s3 =	smov.u32 s19;
	p2 =	sgt.s32 s4, $0x5F  }
0x46: {  	s21 =	smov.u32 s12;
	s23 =	smov.u32 s13;
	s3 =	smov.u32 @p2 s1  }
0x47: {  	s12 =	smov.u32 s15;
	s5 =	smov.u32 @p1 s10;
	p1 =	sgt.s32 s3, $0x1  }
0x48: {  	s13 =	smov.u32 s17;
	s3 =	smov.u32 @p1 s8;
	p1 =	sne.s32 s20, s11  }
.Ltmp1:
0x49: {  	s22 =	smov.u32 s14;
	s14 =	smov.u32 s18;
	(pc) =	sbr.rel @!p1 .LBB1_20-.Ltmp1, $4  }
0x4a: {  	s15 =	smov.u32 s2;
	s0 =	sand.u32 @!p0 $0x3FFFFFFF, s0;
	s1 =	simm.s32 @!p0 $0x2  }
0x4b: {  	s17 =	smov.u32 s5;
	s4 =	simm.s32 @p2 $0x0;
	_ =	swait.ge @!p0 [sflag:s1], s0  }
0x4c: {  	s0 =	ssub.s32 @!p0 $0x0, s0;
	s18 =	smov.u32 s4;
	[sflag:s1] =	ssyncset.done @!p0 $0x0  }
0x4d: {  	s20 =	sadd.s32 $0x1, s20;
	[sflag:s1] =	ssyncadd.s32 @!p0 s0;
	s19 =	smov.u32 s3  }
.LBB1_1:
0x4e: {  	p0 =	sge.u32 s20, s9  }
.Ltmp2:
0x4f: {  	_ = 	snop;
	(pc) =	sbr.rel @p0 .LBB1_3-.Ltmp2, $1  }
0x50: {  	_ =	sdelay $0x3  }
0x51: {  	s0 =	sand.u32 $0x78, s15;
	s1 =	sshll.u32 s17, $0x8;
	s2 =	sshll.u32 s15, $0x3  }
0x52: {  	s3 =	sshll.u32 s17, $0x7;
	p0 =	sgt.s32 s19, $0x1;
	s25 =	sshra.s32 s19, $0x1F  }
0x53: {  	s4 =	smov.u32 s18;
	s5 =	sshra.s32 s18, $0x1F;
	s27 =	sshra.s32 s17, $0x1F  }
0x54: {  	s29 =	sshra.s32 s15, $0x1F;
	s30 =	sxor.u32 $0xFFFFFFFF, s20;
	s1 =	sand.u32 $0xFFFFF800, s1  }
0x55: {  	s2 =	sand.u32 $0xFFFFFC00, s2;
	s7 =	sand.u32 $0x300, s3;
	s3 =	sand.u32 $0x80, s3  }
0x56: {  	s5 =	sand.u32 s5, s18;
	s28 =	sand.u32 s27, s17;
	s27 =	rddreg [dreg:$0x0]  }
0x57: {  	s1 =	sadd.s32 s1, s2;
	s0 =	sor.u32 s0, s3;
	s2 =	smov.u32 s19  }
0x58: {  	s3 =	sand.u32 s25, s19;
	s25 =	smul.u32 $0x1C00, s18;
	s1 =	sor.u32 s7, s1  }
0x59: {  	s2 =	simm.s32 @!p0 $0x1;
	p0 =	sgt.s32 s18, $0xFFFFFFE0;
	s3 =	sxor.u32 $0xFFFFFFFF, s3  }
0x5a: {  	s0 =	sshrl.u32 s0, $0x3;
	s1 =	sshrl.u32 s1, $0x8;
	s4 =	simm.s32 @!p0 $0xFFFFFFE0  }
0x5b: {  	s2 =	sadd.s32 s3, s2;
	s6 =	smulhi.u32 $0x124924A, s1;
	s26 =	ssub.s32 s4, s5  }
0x5c: {  	p0 =	sgt.s32 s2, $0x0;
	s2 =	ssub.s32 $0x1, s2;
	s4 =	sadd.s32 $0x20, s26  }
0x5d: {  	s2 =	simm.s32 @p0 $0x0;
	s3 =	ssub.s32 $0x60, s26;
	p0 =	sgt.s32 s4, $0x7F  }
0x5e: {  	s5 =	sand.u32 s29, s15;
	s6 =	smul.u32 $0xE0, s6;
	s3 =	simm.s32 @p0 $0x0  }
0x5f: {  	s4 =	smov.u32 s17;
	p0 =	sgt.s32 s17, $0xDF;
	s2 =	smul.u32 s2, s3  }
0x60: {  	s4 =	simm.s32 @!p0 $0xDF;
	p0 =	sgt.s32 s15, $0x80;
	s1 =	ssub.s32 s1, s6  }
0x61: {  	s3 =	ssub.s32 s4, s28;
	s4 =	smov.u32 s15;
	s28 =	sand.u32 $0x7, s15  }
0x62: {  	s1 =	sshll.u32 s1, $0x5;
	s7 =	sadd.s32 $0xFFFFFF21, s3;
	s4 =	simm.s32 @!p0 $0x80  }
0x63: {  	s3 =	ssub.s32 $0xE0, s3;
	p0 =	sgt.s32 s7, $0x0;
	s4 =	ssub.s32 s4, s5  }
0x64: {  	s7 =	smul.u32 $0xA8000, s19;
	s3 =	simm.s32 @p0 $0x0;
	s31 =	sadd.s32 $0xFFFFFF80, s4  }
0x65: {  	s2 =	smul.u32 s3, s2;
	p0 =	sgt.s32 s31, $0x7F;
	s3 =	ssub.s32 $0x100, s4  }
0x66: {  	s29 =	sshll.u32 s28, $0x12;
	s4 =	sadd.s32 s27, s7;
	s3 =	simm.s32 @p0 $0x0  }
0x67: {  	s5 =	sshll.u32 s30, $0xE;
	s4 =	sadd.s32 s25, s4;
	s2 =	smul.u32 s3, s2  }
0x68: {  	s30 =	sor.u32 $0x80, s29;
	s26 =	sand.u32 $0x4000, s5;
	s0 =	sadd.s32 s0, s4  }
0x69: {  	s31 =	simm.s32 $0xE000;
	s0 =	sadd.s32 s1, s0;
	s2 =	sand.u32 $0x3FFFFFFF, s2  }
0x6a: {  	[tilespmem:s26], [sflag:$0x1] =	stream.strided.gather [hbm4b:s0+s30], s2, s31, s30, $0x38;
	[tilespmem:$0x10100] =	vst v63  }
.LBB1_3:
0x6b: {  	s0 =	sadd.s32 $0xFFFFFFFF, s20  }
0x6c: {  	p0 =	sge.u32 s0, s9  }
.Ltmp3:
0x6d: {  	_ = 	snop;
	(pc) =	sbr.rel @p0 .LBB1_19-.Ltmp3, $1  }
0x6e: {  	_ =	sdelay $0x3  }
0x6f: {  	[dreg:$0x13] =	wrdreg s24  }
0x70: {  	[dreg:$0x12] =	wrdreg s23  }
0x71: {  	[dreg:$0x11] =	wrdreg s22  }
0x72: {  	[dreg:$0x10] =	wrdreg s21  }
0x73: {  	[dreg:$0xe] =	wrdreg s19  }
0x74: {  	[dreg:$0xd] =	wrdreg s18  }
0x75: {  	[dreg:$0xc] =	wrdreg s17  }
0x76: {  	[dreg:$0xa] =	wrdreg s15;
	s0 =	sshra.s32 s16, $0x1F  }
0x77: {  	p0 =	sgt.s32 s16, $0x1;
	s1 =	smov.u32 s16;
	s15 =	ssub.s32 $0x0, s14  }
0x78: {  	s2 =	sshra.s32 s14, $0x1F;
	p1 =	sgt.s32 s13, $0xDF;
	s3 =	smov.u32 s13  }
0x79: {  	s4 =	sshra.s32 s13, $0x1F;
	p2 =	sgt.s32 s14, $0xFFFFFFE0;
	[dreg:$0x7] =	wrdreg s12  }
0x7a: {  	s5 =	smov.u32 s14;
	s22 =	ssub.s32 $0x0, s12;
	[dreg:$0xb] =	wrdreg s16  }
0x7b: {  	s23 =	sshra.s32 s12, $0x1F;
	[dreg:$0x9] =	wrdreg s14;
	s0 =	sand.u32 s0, s16  }
0x7c: {  	s1 =	simm.s32 @!p0 $0x1;
	s3 =	simm.s32 @!p1 $0xDF;
	s4 =	sand.u32 s4, s13  }
0x7d: {  	s2 =	sand.u32 s15, s2;
	s5 =	simm.s32 @!p2 $0xFFFFFFE0;
	p1 =	sgt.s32 s12, $0x80  }
0x7e: {  	s24 =	sand.u32 s22, s23;
	s0 =	sxor.u32 $0xFFFFFFFF, s0;
	s17 =	ssub.s32 s3, s4  }
0x7f: {  	[dreg:$0x15] =	wrdreg s2;
	s18 =	sadd.s32 s2, s5;
	s5 =	smov.u32 s12  }
0x80: {  	s2 =	sadd.s32 $0x1, s16;
	s0 =	sadd.s32 s0, s1;
	s19 =	sadd.s32 $0xFFFFFF21, s17  }
0x81: {  	s21 =	sadd.s32 $0x20, s18;
	s7 =	ssub.s32 $0xE0, s17;
	s5 =	simm.s32 @!p1 $0x80  }
0x82: {  	p0 =	sgt.s32 s0, $0x0;
	s6 =	ssub.s32 $0x1, s0;
	p1 =	sgt.s32 s21, $0x7F  }
0x83: {  	s1 =	sadd.s32 s24, s5;
	s6 =	simm.s32 @p0 $0x0;
	p0 =	sgt.s32 s19, $0x0  }
0x84: {  	s0 =	ssub.s32 $0x60, s18;
	s25 =	sadd.s32 $0xFFFFFF80, s1;
	s7 =	simm.s32 @p0 $0x0  }
0x85: {  	s1 =	ssub.s32 $0x100, s1;
	p0 =	sgt.s32 s25, $0x7F;
	s26 =	smul.u32 s6, s7  }
0x86: {  	s0 =	simm.s32 @p1 $0x0;
	s1 =	simm.s32 @p0 $0x0;
	p0 =	slt.s32 s2, $0x2  }
0x87: {  	s3 =	sadd.s32 $0x80, s14;
	s2 =	simm.s32 @!p0 $0x2;
	s0 =	smul.u32 s0, s26  }
0x88: {  	[dreg:$0x8] =	wrdreg s13;
	p0 =	slt.s32 s3, $0x60;
	s2 =	ssub.s32 s2, s16  }
0x89: {  	s3 =	simm.s32 @!p0 $0x60;
	s0 =	smul.u32 s1, s0;
	s1 =	sadd.s32 $0x1, s13  }
0x8a: {  	s3 =	ssub.s32 s3, s14;
	p0 =	slt.s32 s2, $0x1;
	p1 =	slt.s32 s1, $0xE0  }
0x8b: {  	[dreg:$0xf] =	wrdreg s20;
	s1 =	simm.s32 @!p1 $0xE0;
	p1 =	slt.s32 @!p0 s3, $0x1  }
0x8c: {  	[dreg:$0x17] =	wrdreg s24;
	s30 =	ssub.s32 s1, s13;
	p1 =	por p0, p1  }
0x8d: {  	[dreg:$0x14] =	wrdreg s6;
	p2 =	slt.s32 @!p1 s30, $0x1  }
0x8e: {  	[dreg:$0x16] =	wrdreg s7;
	p1 =	por p1, p2  }
.Ltmp4:
0x8f: {  	s28 =	simm.s32 $0x1;
	[dreg:$0x19] =	wrdreg s2;
	(pc) =	sbr.rel @p1 .LBB1_18-.Ltmp4, $4  }
0x90: {  	[dreg:$0x1a] =	wrdreg s3;
	s27 =	sand.u32 $0x3FFFFFFF, s0;
	s0 =	sand.u32 $0x1, s20  }
0x91: {  	_ =	swait.ge [sflag:s28], s27;
	s31 =	smul.u32 $0x4080, s0  }
0x92: {  	s29 =	ssub.s32 $0x0, s27;
	[sflag:s28] =	ssyncset.done $0x0  }
0x93: {  	[sflag:s28] =	ssyncadd.s32 s29;
	[dreg:$0x18] =	wrdreg s31  }
0x94: {  	s2 =	rddreg [dreg:$0x7]  }
0x95: {  	s1 =	sadd.s32 $0x80, s2  }
0x96: {  	p1 =	slt.s32 s1, $0xE0  }
.Ltmp5:
0x97: {  	s1 =	simm.s32 @!p1 $0xE0;
	(pc) =	sbr.rel .LBB1_6-.Ltmp5, $4  }
0x98: {  	s0 =	sshll.u32 @!p0 s0, $0xE;
	s1 =	ssub.s32 s1, s2  }
0x99: {  	s3 =	simm.s32 $0x0;
	[dreg:$0x1b] =	wrdreg s0;
	s4 =	sadd.s32 $0xF, s1  }
0x9a: {  	s0 =	rddreg [dreg:$0x18];
	s31 =	sand.u32 $0xFFFFFFF0, s4;
	s1 =	sand.u32 @!p0 $0xFFFFFF00, s4  }
0x9b: {  	s2 =	sor.u32 @!p0 $0x8000, s0;
	p0 =	slt.s32 s4, $0x100;
	p1 =	sge.s32 s1, s31  }
.LBB1_17:
0x9c: {  	s3 =	sadd.s32 $0x1, s3;
	s0 =	rddreg [dreg:$0x19]  }
0x9d: {  	p2 =	sne.s32 s3, s0  }
.Ltmp6:
0x9e: {  	_ = 	snop;
	(pc) =	sbr.rel @!p2 .LBB1_18-.Ltmp6, $1  }
0x9f: {  	_ =	sdelay $0x3  }
.LBB1_6:
.Ltmp7:
0xa0: {  	(pc) =	sbr.rel .LBB1_7-.Ltmp7, $4  }
0xa1: {  	_ = 	snop  }
0xa2: {  	s0 =	sshll.u32 s3, $0x10  }
0xa3: {  	s4 =	rddreg [dreg:$0x1b];
	s0 =	sshra.s32 s0, $0x2  }
0xa4: {  	s5 =	simm.s32 $0x0;
	s9 =	sadd.s32 s0, s4  }
.LBB1_16:
0xa5: {  	s5 =	sadd.s32 $0x1, s5;
	s0 =	rddreg [dreg:$0x1a]  }
0xa6: {  	p2 =	sne.s32 s5, s0  }
.Ltmp8:
0xa7: {  	_ = 	snop;
	(pc) =	sbr.rel @!p2 .LBB1_17-.Ltmp8, $1  }
0xa8: {  	_ =	sdelay $0x3  }
.LBB1_7:
0xa9: {  	s8 =	sshrl.u32 s5, $0x4  }
0xaa: {  	s0 =	sshll.u32 s5, $0x3;
	s6 =	sand.u32 $0x78, s8  }
0xab: {  	s7 =	sadd.s32 $0x800, s0;
	s11 =	sadd.s32 $0x1000, s0;
	s12 =	sadd.s32 $0x1800, s0  }
0xac: {  	s25 =	sadd.s32 $0x2800, s0;
	s28 =	sadd.s32 $0x3000, s0;
	s0 =	sadd.s32 $0x3800, s0  }
0xad: {  	s10 =	smul.u32 $0x204, s6;
	s7 =	sshrl.u32 s7, $0x7;
	s6 =	sxor.u32 $0x40, s6  }
0xae: {  	s11 =	sshrl.u32 s11, $0x7;
	s7 =	sand.u32 $0x78, s7;
	s14 =	smul.u32 $0x204, s6  }
0xaf: {  	s22 =	sshrl.u32 s12, $0x7;
	s21 =	sand.u32 $0x78, s11;
	s13 =	smul.u32 $0x204, s7  }
0xb0: {  	s26 =	sshrl.u32 s25, $0x7;
	s24 =	sand.u32 $0x78, s22;
	s23 =	smul.u32 $0x204, s21  }
0xb1: {  	s0 =	sshrl.u32 s0, $0x7;
	s6 =	sand.u32 $0x78, s26;
	s11 =	smul.u32 $0x204, s24  }
0xb2: {  	s4 =	sshll.u32 s5, $0x9;
	s0 =	sand.u32 $0x78, s0;
	s15 =	smul.u32 $0x204, s6  }
0xb3: {  	s27 =	simm.s32 $0x0;
	s4 =	sshra.s32 s4, $0x2;
	s0 =	smul.u32 $0x204, s0  }
.Ltmp9:
0xb4: {  	s4 =	sadd.s32 s4, s9;
	s7 =	sshrl.u32 s28, $0x7;
	(pc) =	sbr.rel .LBB1_8-.Ltmp9, $4  }
0xb5: {  	s24 =	sshrl.u32 s10, $0x2;
	s29 =	sand.u32 $0x78, s7;
	s7 =	sand.u32 $0x7F, s5  }
0xb6: {  	s20 =	sshrl.u32 s14, $0x2;
	s16 =	smul.u32 $0x204, s29;
	s6 =	sadd.s32 s7, s2  }
0xb7: {  	s26 =	sshrl.u32 s13, $0x2;
	s23 =	sshrl.u32 s23, $0x2;
	s25 =	sshrl.u32 s11, $0x2  }
0xb8: {  	s19 =	sshrl.u32 s15, $0x2;
	s14 =	sshrl.u32 s0, $0x2;
	s11 =	sshrl.u32 s16, $0x2  }
.LBB1_15:
0xb9: {  	s27 =	sadd.s32 $0x1, s27  }
0xba: {  	p2 =	sne.s32 s27, s30  }
.Ltmp10:
0xbb: {  	_ = 	snop;
	(pc) =	sbr.rel @!p2 .LBB1_16-.Ltmp10, $1  }
0xbc: {  	_ =	sdelay $0x3  }
.LBB1_8:
.Ltmp11:
0xbd: {  	(pc) =	sbr.rel @p0 .LBB1_12-.Ltmp11, $2  }
0xbe: {  	_ =	sdelay $0x2  }
0xbf: {  	s21 =	sshll.u32 s27, $0x7;
	s22 =	sadd.s32 s3, s27  }
0xc0: {  	s0 =	smul.u32 $0x10200, s22;
	s10 =	sand.u32 $0x380, s21  }
0xc1: {  	s10 =	sadd.s32 s10, s4  }
0xc2: {  	s0 =	sshra.s32 s0, $0x2;
	v1 =	vld [tilespmem:s10+$0x50]  }
0xc3: {  	v2 =	vld [tilespmem:s10+$0x40];
	s0 =	sadd.s32 s0, s2  }
0xc4: {  	v4 =	vld [tilespmem:s10+$0x30];
	s12 =	sadd.s32 s24, s0;
	s15 =	sadd.s32 s26, s0  }
0xc5: {  	v5 =	vld [tilespmem:s10+$0x20];
	s28 =	sadd.s32 s20, s0;
	s13 =	sadd.s32 s7, s12;
	s12 =	sadd.s32 s19, s0  }
0xc6: {  	v6 =	vld [tilespmem:s10+$0x10];
	s16 =	sadd.s32 s7, s15;
	s15 =	sadd.s32 s23, s0;
	s12 =	sadd.s32 s7, s12  }
0xc7: {  	v7 =	vld [tilespmem:s10+$0x0];
	s17 =	sadd.s32 s25, s0;
	s18 =	sadd.s32 s7, s15;
	s15 =	sadd.s32 s7, s28;
	[tilespmem:s12+$0x0 ss:$0x81] =	vst.msk $0xffff, v1  }
0xc8: {  	s17 =	sadd.s32 s7, s17;
	[tilespmem:s15+$0x0 ss:$0x81] =	vst.msk $0xffff, v2  }
0xc9: {  	[tilespmem:s17+$0x0 ss:$0x81] =	vst.msk $0xffff, v4  }
0xca: {  	[tilespmem:s18+$0x0 ss:$0x81] =	vst.msk $0xffff, v5  }
0xcb: {  	v0 =	vld [tilespmem:s10+$0x70];
	[tilespmem:s16+$0x0 ss:$0x81] =	vst.msk $0xffff, v6  }
0xcc: {  	p2 =	sgt.s32 s1, $0x100;
	v3 =	vld [tilespmem:s10+$0x60];
	[tilespmem:s13+$0x0 ss:$0x81] =	vst.msk $0xffff, v7  }
.Ltmp12:
0xcd: {  	[tilespmem:s13+$0x0 ss:$0x81] =	vst.msk $0xffff, v7;
	(pc) =	sbr.rel @!p2 .LBB1_11-.Ltmp12, $4  }
0xce: {  	s28 =	sadd.s32 s11, s0;
	s0 =	sadd.s32 s14, s0;
	[tilespmem:s16+$0x0 ss:$0x81] =	vst.msk $0xffff, v6  }
0xcf: {  	s0 =	sadd.s32 s7, s0;
	[tilespmem:s18+$0x0 ss:$0x81] =	vst.msk $0xffff, v5  }
0xd0: {  	s28 =	sadd.s32 s7, s28;
	[tilespmem:s0+$0x0 ss:$0x81] =	vst.msk $0xffff, v0  }
0xd1: {  	s29 =	simm.s32 $0x100;
	[tilespmem:s28+$0x0 ss:$0x81] =	vst.msk $0xffff, v3  }
.LBB1_10:
0xd2: {  	v5 =	vld [tilespmem:s10+$0x70];
	[tilespmem:s17+$0x0 ss:$0x81] =	vst.msk $0xffff, v4  }
0xd3: {  	v6 =	vld [tilespmem:s10+$0x60];
	[tilespmem:s15+$0x0 ss:$0x81] =	vst.msk $0xffff, v2  }
0xd4: {  	[tilespmem:s12+$0x0 ss:$0x81] =	vst.msk $0xffff, v1;
	v1 =	vld [tilespmem:s10+$0x50]  }
0xd5: {  	v2 =	vld [tilespmem:s10+$0x40];
	[tilespmem:s28+$0x0 ss:$0x81] =	vst.msk $0xffff, v3  }
0xd6: {  	v4 =	vld [tilespmem:s10+$0x30];
	[tilespmem:s0+$0x0 ss:$0x81] =	vst.msk $0xffff, v0  }
0xd7: {  	v7 =	vld [tilespmem:s10+$0x20];
	[tilespmem:s0+$0x0 ss:$0x81] =	vst.msk $0xffff, v5;
	v0 =	vmov v5  }
0xd8: {  	v5 =	vld [tilespmem:s10+$0x10];
	[tilespmem:s28+$0x0 ss:$0x81] =	vst.msk $0xffff, v6;
	v3 =	vmov v6  }
0xd9: {  	s29 =	sadd.s32 $0x100, s29;
	v6 =	vld [tilespmem:s10+$0x0];
	[tilespmem:s12+$0x0 ss:$0x81] =	vst.msk $0xffff, v1  }
0xda: {  	p2 =	slt.s32 s29, s1;
	[tilespmem:s15+$0x0 ss:$0x81] =	vst.msk $0xffff, v2  }
0xdb: {  	[tilespmem:s17+$0x0 ss:$0x81] =	vst.msk $0xffff, v4  }
0xdc: {  	[tilespmem:s18+$0x0 ss:$0x81] =	vst.msk $0xffff, v7  }
.Ltmp13:
0xdd: {  	[tilespmem:s16+$0x0 ss:$0x81] =	vst.msk $0xffff, v5;
	(pc) =	sbr.rel @p2 .LBB1_10-.Ltmp13, $4  }
0xde: {  	[tilespmem:s13+$0x0 ss:$0x81] =	vst.msk $0xffff, v6  }
0xdf: {  	[tilespmem:s13+$0x0 ss:$0x81] =	vst.msk $0xffff, v6  }
0xe0: {  	[tilespmem:s16+$0x0 ss:$0x81] =	vst.msk $0xffff, v5  }
0xe1: {  	[tilespmem:s18+$0x0 ss:$0x81] =	vst.msk $0xffff, v7  }
.LBB1_11:
0xe2: {  	[tilespmem:s17+$0x0 ss:$0x81] =	vst.msk $0xffff, v4  }
0xe3: {  	[tilespmem:s15+$0x0 ss:$0x81] =	vst.msk $0xffff, v2  }
0xe4: {  	[tilespmem:s12+$0x0 ss:$0x81] =	vst.msk $0xffff, v1  }
0xe5: {  	[tilespmem:s28+$0x0 ss:$0x81] =	vst.msk $0xffff, v3  }
0xe6: {  	[tilespmem:s0+$0x0 ss:$0x81] =	vst.msk $0xffff, v0  }
.LBB1_12:
.Ltmp14:
0xe7: {  	(pc) =	sbr.rel @p1 .LBB1_15-.Ltmp14, $1  }
0xe8: {  	_ =	sdelay $0x3  }
0xe9: {  	s10 =	sand.u32 $0x380, s21  }
0xea: {  	s0 =	smul.u32 $0x10200, s22;
	s10 =	sadd.s32 s10, s4  }
0xeb: {  	v0 =	vmov s10  }
0xec: {  	s0 =	sshra.s32 s0, $0x2  }
0xed: {  	s10 =	smov.u32 s1;
	s0 =	sadd.s32 s0, s6  }
.LBB1_14:
0xee: {  	s13 =	sadd.s32 s10, s8  }
0xef: {  	s12 =	sand.u32 $0x70, s10;
	s10 =	sadd.s32 $0x10, s10;
	s29 =	sand.u32 $0x78, s13  }
0xf0: {  	v1 =	vld.idx.msk [tilespmem:v0+s12+$0x0 ss:$0x1], $0xffff;
	p2 =	slt.s32 s10, s31;
	s12 =	smul.u32 $0x204, s29  }
.Ltmp15:
0xf1: {  	_ = 	snop;
	(pc) =	sbr.rel @p2 .LBB1_14-.Ltmp15, $4  }
0xf2: {  	_ = 	snop  }
0xf3: {  	s12 =	sshrl.u32 s12, $0x2  }
0xf4: {  	s12 =	sadd.s32 s12, s0  }
0xf5: {  	[tilespmem:s12+$0x0 ss:$0x81] =	vst.msk $0xffff, v1  }
.Ltmp16:
0xf6: {  	_ = 	snop;
	(pc) =	sbr.rel .LBB1_15-.Ltmp16, $1  }
0xf7: {  	_ =	sdelay $0x3  }
.LBB1_20:
0xf8: {  	_ =	sfence.sel $0x180000  }
0xf9: {  	s0 =	simm.s32 $0x1;
	[bflag:$0x0] =	sbarrier.arrive $0xFFFF  }
0xfa: {  	s30 =	simm.s32 $0x2;
	[sflag:s0] =	ssyncpa.u1 $0x1  }
0xfb: {  	[sflag:s30] =	ssyncpa.u1 $0x1  }
0xfc: {  	_ =	strace $0x90000047  }
0xfd: {  	s31 =	stileid.u32;
	[bflag:$0x2] =	sbarrier.arrive $0xFFFF  }
0xfe: {  	p0 =	sne.s32 s31, $0x0;
	s0 =	rddreg [dreg:$0x2]  }
0xff: {  	s0 =	sadd.s32 @!p0 $0x100000, s0  }
0x100: {  	[sflag:s0] =	ssyncadd.tile.s32 @!p0 $0x1;
	_ =	shalt  }
.Lfunc_end1:
_tile_overlayer_lowered:
.L_overlay_start_2:
0x101: {  	(tag) =	ssettag $0x2  }
0x102: {  	s0 =	rddreg [dreg:$0x0];
	s2 =	stileid.u32  }
0x103: {  	s1 =	rddreg [dreg:$0x1];
	p0 =	sne.s32 s2, $0x0  }
0x104: {  	s3 =	rddreg [dreg:$0x2];
	[bflag:$0x3] =	sbarrier.arrive $0xFFFF;
	s2 =	simm.s32 @!p0 $0x1C01  }
0x105: {  	[timem:s3], [sflag:s2] =	dma.local @!p0 [hbm:s0], s1  }
0x106: {  	s0 =	simm.s32 @!p0 $0x1  }
0x107: {  	_ =	swait.ge @!p0 [sflag:s0], s1  }
0x108: {  	s1 =	ssub.s32 @!p0 $0x0, s1;
	[sflag:s0] =	ssyncset.done @!p0 $0x0  }
0x109: {  	[sflag:s0] =	ssyncadd.s32 @!p0 s1  }
0x10a: {  	[bflag:$0x3] =	sbarrier.arrive $0xFFFF  }
0x10b: {  	_ =	shalt  }

</sc_bundles>
